<compile_context>
chip_gen: v7x
topology: tpu7x:2x2x1
jax: 0.10.2.dev20260603
libtpu: 0.0.44.dev20260713+nightly
codegen_flags: <defaults>
</compile_context>

<pallas_src>
import functools

import jax
import jax.numpy as jnp
from jax import lax
from jax.experimental import pallas as pl
from jax.experimental.pallas import tpu as pltpu
from jax.experimental.pallas import tpu_sc as plsc

U, W, NUM_CATS, B = 32, 16, 100000, 1024
NROWS = U * W
NC, NS = 2, 16
NW = NC * NS
ROWS_PER_W = NROWS // NW
CHUNK = 128
CHUNKS_PER_ROW = B // CHUNK
S = 2 * W * CHUNKS_PER_ROW
WORDS_PER_W = ROWS_PER_W * 2 * B


def _sc_gather(a_flat, idx):
    mesh = plsc.VectorSubcoreMesh(core_axis_name="c", subcore_axis_name="s")

    @functools.partial(
        pl.kernel,
        mesh=mesh,
        out_type=jax.ShapeDtypeStruct((NROWS * 2 * B,), jnp.float32),
        scratch_types=[
            pltpu.VMEM((B,), jnp.int32),
            pltpu.VMEM((ROWS_PER_W, CHUNKS_PER_ROW, CHUNK), jnp.int32),
            pltpu.VMEM((WORDS_PER_W,), jnp.float32),
            pltpu.SemaphoreType.DMA,
        ],
    )
    def k(a_hbm, idx_hbm, out_hbm, idx2v, idxv, rowsv, sem):
        wid = lax.axis_index("s") * NC + lax.axis_index("c")
        pltpu.sync_copy(idx_hbm, idx2v)

        def per_row(j, _):
            base = (wid * ROWS_PER_W + j) * NUM_CATS
            for m in range(CHUNKS_PER_ROW):
                for q in range(CHUNK // 16):
                    off = m * CHUNK + q * 16
                    idxv[j, m, pl.ds(q * 16, 16)] = idx2v[pl.ds(off, 16)] + base
            for m in range(CHUNKS_PER_ROW):
                pltpu.async_copy(
                    a_hbm.at[idxv.at[j, m]],
                    rowsv.at[pl.ds((j * CHUNKS_PER_ROW + m) * 2 * CHUNK,
                                   CHUNK)],
                    sem,
                )
            return 0

        lax.fori_loop(0, ROWS_PER_W, per_row, 0)
        pltpu.make_async_copy(
            a_hbm.at[pl.ds(0, ROWS_PER_W * B)],
            rowsv.at[pl.ds(0, ROWS_PER_W * B)],
            sem,
        ).wait()
        pltpu.sync_copy(rowsv, out_hbm.at[pl.ds(wid * WORDS_PER_W,
                                                WORDS_PER_W)])

    return k(a_flat, idx)


def _tc_body(gt_ref, out_ref):
    l = jnp.log(gt_ref[0])
    srow = lax.broadcasted_iota(jnp.int32, (S, CHUNK), 0)
    even = srow % 2 == 0
    for w1 in range(W):
        blk = l[w1 * 16:(w1 + 1) * 16, :]
        tiled = jnp.concatenate([blk] * W, axis=0)
        out_ref[0, w1] = jnp.where(even, l + tiled, 0.0)


def _tc_outer(gt):
    return pl.pallas_call(
        _tc_body,
        grid=(U,),
        in_specs=[pl.BlockSpec((1, S, CHUNK), lambda u: (u, 0, 0))],
        out_specs=pl.BlockSpec((1, W, S, CHUNK), lambda u: (u, 0, 0, 0)),
        out_shape=jax.ShapeDtypeStruct((U, W, S, CHUNK), jnp.float32),
    )(gt)


def kernel(A, assignment):
    staged = _sc_gather(A.reshape(-1), assignment.astype(jnp.int32))
    out4 = _tc_outer(staged.reshape(U, S, CHUNK))
    out6 = out4.reshape(U, W, W, CHUNKS_PER_ROW, 2, CHUNK)
    return out6.transpose(0, 1, 2, 3, 5, 4).reshape(U, W, W, B, 2)

# --- scband reference (transcript-rebuilt; emitter-appended) ---
"""Pipeline reference for scband-inception-real-input-block-71940702208175 (READ-ONLY COPY).

The authoritative reference and input builder live on the scoring server;
editing this copy changes nothing except your own understanding.
"""

import jax, jax.numpy as jnp
import numpy as np

U, W, NUM_CATS, B = 32, 16, 100000, 1024

def setup_inputs(seed: int = 0) -> dict:
    key = jax.random.key(seed)
    k_a, k_idx = jax.random.split(key)
    # faithful to __post_init__: params = exp(uniform * -2), normalized over last axis
    params = jnp.exp(jax.random.uniform(k_a, (U, W, NUM_CATS)) * -2.0)
    A = params / params.sum(axis=-1, keepdims=True)
    assignment = jax.random.randint(k_idx, (B,), 0, NUM_CATS, dtype=jnp.int64 if jax.config.jax_enable_x64 else jnp.int32)
    return {"A": A.astype(jnp.float32), "assignment": assignment}

def reference(A, assignment):
    # InceptionRealInputBlock.forward
    # A: (U, W, num_cats); assignment: (B,) int indices into num_cats
    # A[:, None, :, assignment] -> (U, 1, W, B); A[:, :, None, assignment] -> (U, W, 1, B)
    val = A[:, None, :, assignment] * A[:, :, None, assignment]  # (U, W, W, B)
    return jnp.stack([jnp.log(jnp.abs(val)), jnp.angle(val)], axis=-1)  # (U, W, W, B, 2)

if __name__ == "__main__":
    import jax
    _d = setup_inputs()
    print(jax.jit(kernel)(*tuple(_d.values())))

</pallas_src>

<mosaic_0001>
#map = affine_map<(d0, d1) -> (0)>
module attributes {stable_mosaic.version = 14 : i64} {
  func.func @k(%arg0: i32, %arg1: i32, %arg2: memref<51200000xf32, #tpu.memory_space<hbm>>, %arg3: memref<1024xi32, #tpu.memory_space<hbm>>, %arg4: memref<1048576xf32, #tpu.memory_space<hbm>>, %arg5: memref<1024xi32, #tpu.memory_space<vmem>>, %arg6: memref<16x8x128xi32, #tpu.memory_space<vmem>>, %arg7: memref<32768xf32, #tpu.memory_space<vmem>>, %arg8: memref<!tpu.dma_semaphore, #tpu.memory_space<semaphore_mem>>) attributes {dimension_semantics = [#tpu.dimension_semantics<core_parallel>, #tpu.dimension_semantics<subcore_parallel>], iteration_bounds = array<i64: 2, 16>, scalar_prefetch = 0 : i64, scratch_operands = 4 : i64, tpu.core_type = #tpu.core_type<sc_vector_subcore>, window_params = [{transform_indices = #map}, {transform_indices = #map}, {transform_indices = #map}]} {
    %mul3A = arith.constant 2 : i32
    %mul3A_0 = arith.muli %arg1, %mul3A : i32
    %add3A = arith.addi %mul3A_0, %arg0 : i32
    "tpu.region"() ({
      %run_scoped3A = tpu.sem_alloc : memref<!tpu.dma_semaphore, #tpu.memory_space<semaphore_mem>>
      tpu.enqueue_dma source(%arg3 : memref<1024xi32, #tpu.memory_space<hbm>>) target(%arg5 : memref<1024xi32, #tpu.memory_space<vmem>>) target_semaphore(%run_scoped3A : memref<!tpu.dma_semaphore, #tpu.memory_space<semaphore_mem>>)
      tpu.wait_dma2 semaphore(%run_scoped3A : memref<!tpu.dma_semaphore, #tpu.memory_space<semaphore_mem>>) src(%arg3 : memref<1024xi32, #tpu.memory_space<hbm>>) dst(%arg5 : memref<1024xi32, #tpu.memory_space<vmem>>)
      tpu.yield
    }) : () -> ()
    %scan3A = arith.constant 0 : i32
    %scan3A_1 = arith.constant 0 : i32
    %scan3A_2 = arith.constant 16 : i32
    %scan3A_3 = arith.addi %scan3A_1, %scan3A_2 : i32
    %scan3A_4 = arith.constant 1 : i32
    %scan3A_5 = scf.for %scan3A_16 = %scan3A_1 to %scan3A_3 step %scan3A_4 iter_args(%scan3A_17 = %scan3A) -> (i32)  : i32 {
      %mul3A_18 = arith.constant 16 : i32
      %mul3A_19 = arith.muli %add3A, %mul3A_18 : i32
      %add3A_20 = arith.addi %mul3A_19, %scan3A_16 : i32
      %mul3A_21 = arith.constant 100000 : i32
      %mul3A_22 = arith.muli %add3A_20, %mul3A_21 : i32
      %get3A = arith.constant 0 : index
      %get3A_23 = tpu.vector_load %arg5[%get3A] {strides = array<i32>} : memref<1024xi32, #tpu.memory_space<vmem>>, vector<16xi32>,
      %get3A_24 = vector.shape_cast %get3A_23 : vector<16xi32> to vector<16xi32>
      %add3A_25 = vector.broadcast %mul3A_22 : i32 to vector<16xi32>
      %add3A_26 = arith.addi %get3A_24, %add3A_25 : vector<16xi32>
      %swap3A = arith.constant 0 : i32
      %swap3A_27 = arith.index_cast %scan3A_16 : i32 to index
      %swap3A_28 = arith.index_cast %swap3A : i32 to index
      %swap3A_29 = arith.constant 0 : index
      %swap3A_30 = tpu.vector_load %arg6[%swap3A_27, %swap3A_28, %swap3A_29] {strides = array<i32>} : memref<16x8x128xi32, #tpu.memory_space<vmem>>, vector<1x1x16xi32>,
      %swap3A_31 = vector.shape_cast %swap3A_30 : vector<1x1x16xi32> to vector<16xi32>
      %swap3A_32 = vector.shape_cast %add3A_26 : vector<16xi32> to vector<1x1x16xi32>
      tpu.vector_store %arg6[%swap3A_27, %swap3A_28, %swap3A_29], %swap3A_32 {strides = array<i32>} : memref<16x8x128xi32, #tpu.memory_space<vmem>>, vector<1x1x16xi32>,
      %get3A_33 = arith.constant 16 : index
      %get3A_34 = tpu.vector_load %arg5[%get3A_33] {strides = array<i32>} : memref<1024xi32, #tpu.memory_space<vmem>>, vector<16xi32>,
      %get3A_35 = vector.shape_cast %get3A_34 : vector<16xi32> to vector<16xi32>
      %add3A_36 = vector.broadcast %mul3A_22 : i32 to vector<16xi32>
      %add3A_37 = arith.addi %get3A_35, %add3A_36 : vector<16xi32>
      %swap3A_38 = arith.constant 0 : i32
      %swap3A_39 = arith.index_cast %scan3A_16 : i32 to index
      %swap3A_40 = arith.index_cast %swap3A_38 : i32 to index
      %swap3A_41 = arith.constant 16 : index
      %swap3A_42 = tpu.vector_load %arg6[%swap3A_39, %swap3A_40, %swap3A_41] {strides = array<i32>} : memref<16x8x128xi32, #tpu.memory_space<vmem>>, vector<1x1x16xi32>,
      %swap3A_43 = vector.shape_cast %swap3A_42 : vector<1x1x16xi32> to vector<16xi32>
      %swap3A_44 = vector.shape_cast %add3A_37 : vector<16xi32> to vector<1x1x16xi32>
      tpu.vector_store %arg6[%swap3A_39, %swap3A_40, %swap3A_41], %swap3A_44 {strides = array<i32>} : memref<16x8x128xi32, #tpu.memory_space<vmem>>, vector<1x1x16xi32>,
      %get3A_45 = arith.constant 32 : index
      %get3A_46 = tpu.vector_load %arg5[%get3A_45] {strides = array<i32>} : memref<1024xi32, #tpu.memory_space<vmem>>, vector<16xi32>,
      %get3A_47 = vector.shape_cast %get3A_46 : vector<16xi32> to vector<16xi32>
      %add3A_48 = vector.broadcast %mul3A_22 : i32 to vector<16xi32>
      %add3A_49 = arith.addi %get3A_47, %add3A_48 : vector<16xi32>
      %swap3A_50 = arith.constant 0 : i32
      %swap3A_51 = arith.index_cast %scan3A_16 : i32 to index
      %swap3A_52 = arith.index_cast %swap3A_50 : i32 to index
      %swap3A_53 = arith.constant 32 : index
      %swap3A_54 = tpu.vector_load %arg6[%swap3A_51, %swap3A_52, %swap3A_53] {strides = array<i32>} : memref<16x8x128xi32, #tpu.memory_space<vmem>>, vector<1x1x16xi32>,
      %swap3A_55 = vector.shape_cast %swap3A_54 : vector<1x1x16xi32> to vector<16xi32>
      %swap3A_56 = vector.shape_cast %add3A_49 : vector<16xi32> to vector<1x1x16xi32>
      tpu.vector_store %arg6[%swap3A_51, %swap3A_52, %swap3A_53], %swap3A_56 {strides = array<i32>} : memref<16x8x128xi32, #tpu.memory_space<vmem>>, vector<1x1x16xi32>,
      %get3A_57 = arith.constant 48 : index
      %get3A_58 = tpu.vector_load %arg5[%get3A_57] {strides = array<i32>} : memref<1024xi32, #tpu.memory_space<vmem>>, vector<16xi32>,
      %get3A_59 = vector.shape_cast %get3A_58 : vector<16xi32> to vector<16xi32>
      %add3A_60 = vector.broadcast %mul3A_22 : i32 to vector<16xi32>
      %add3A_61 = arith.addi %get3A_59, %add3A_60 : vector<16xi32>
      %swap3A_62 = arith.constant 0 : i32
      %swap3A_63 = arith.index_cast %scan3A_16 : i32 to index
      %swap3A_64 = arith.index_cast %swap3A_62 : i32 to index
      %swap3A_65 = arith.constant 48 : index
      %swap3A_66 = tpu.vector_load %arg6[%swap3A_63, %swap3A_64, %swap3A_65] {strides = array<i32>} : memref<16x8x128xi32, #tpu.memory_space<vmem>>, vector<1x1x16xi32>,
      %swap3A_67 = vector.shape_cast %swap3A_66 : vector<1x1x16xi32> to vector<16xi32>
      %swap3A_68 = vector.shape_cast %add3A_61 : vector<16xi32> to vector<1x1x16xi32>
      tpu.vector_store %arg6[%swap3A_63, %swap3A_64, %swap3A_65], %swap3A_68 {strides = array<i32>} : memref<16x8x128xi32, #tpu.memory_space<vmem>>, vector<1x1x16xi32>,
      %get3A_69 = arith.constant 64 : index
      %get3A_70 = tpu.vector_load %arg5[%get3A_69] {strides = array<i32>} : memref<1024xi32, #tpu.memory_space<vmem>>, vector<16xi32>,
      %get3A_71 = vector.shape_cast %get3A_70 : vector<16xi32> to vector<16xi32>
      %add3A_72 = vector.broadcast %mul3A_22 : i32 to vector<16xi32>
      %add3A_73 = arith.addi %get3A_71, %add3A_72 : vector<16xi32>
      %swap3A_74 = arith.constant 0 : i32
      %swap3A_75 = arith.index_cast %scan3A_16 : i32 to index
      %swap3A_76 = arith.index_cast %swap3A_74 : i32 to index
      %swap3A_77 = arith.constant 64 : index
      %swap3A_78 = tpu.vector_load %arg6[%swap3A_75, %swap3A_76, %swap3A_77] {strides = array<i32>} : memref<16x8x128xi32, #tpu.memory_space<vmem>>, vector<1x1x16xi32>,
      %swap3A_79 = vector.shape_cast %swap3A_78 : vector<1x1x16xi32> to vector<16xi32>
      %swap3A_80 = vector.shape_cast %add3A_73 : vector<16xi32> to vector<1x1x16xi32>
      tpu.vector_store %arg6[%swap3A_75, %swap3A_76, %swap3A_77], %swap3A_80 {strides = array<i32>} : memref<16x8x128xi32, #tpu.memory_space<vmem>>, vector<1x1x16xi32>,
      %get3A_81 = arith.constant 80 : index
      %get3A_82 = tpu.vector_load %arg5[%get3A_81] {strides = array<i32>} : memref<1024xi32, #tpu.memory_space<vmem>>, vector<16xi32>,
      %get3A_83 = vector.shape_cast %get3A_82 : vector<16xi32> to vector<16xi32>
      %add3A_84 = vector.broadcast %mul3A_22 : i32 to vector<16xi32>
      %add3A_85 = arith.addi %get3A_83, %add3A_84 : vector<16xi32>
      %swap3A_86 = arith.constant 0 : i32
      %swap3A_87 = arith.index_cast %scan3A_16 : i32 to index
      %swap3A_88 = arith.index_cast %swap3A_86 : i32 to index
      %swap3A_89 = arith.constant 80 : index
      %swap3A_90 = tpu.vector_load %arg6[%swap3A_87, %swap3A_88, %swap3A_89] {strides = array<i32>} : memref<16x8x128xi32, #tpu.memory_space<vmem>>, vector<1x1x16xi32>,
      %swap3A_91 = vector.shape_cast %swap3A_90 : vector<1x1x16xi32> to vector<16xi32>
      %swap3A_92 = vector.shape_cast %add3A_85 : vector<16xi32> to vector<1x1x16xi32>
      tpu.vector_store %arg6[%swap3A_87, %swap3A_88, %swap3A_89], %swap3A_92 {strides = array<i32>} : memref<16x8x128xi32, #tpu.memory_space<vmem>>, vector<1x1x16xi32>,
      %get3A_93 = arith.constant 96 : index
      %get3A_94 = tpu.vector_load %arg5[%get3A_93] {strides = array<i32>} : memref<1024xi32, #tpu.memory_space<vmem>>, vector<16xi32>,
      %get3A_95 = vector.shape_cast %get3A_94 : vector<16xi32> to vector<16xi32>
      %add3A_96 = vector.broadcast %mul3A_22 : i32 to vector<16xi32>
      %add3A_97 = arith.addi %get3A_95, %add3A_96 : vector<16xi32>
      %swap3A_98 = arith.constant 0 : i32
      %swap3A_99 = arith.index_cast %scan3A_16 : i32 to index
      %swap3A_100 = arith.index_cast %swap3A_98 : i32 to index
      %swap3A_101 = arith.constant 96 : index
      %swap3A_102 = tpu.vector_load %arg6[%swap3A_99, %swap3A_100, %swap3A_101] {strides = array<i32>} : memref<16x8x128xi32, #tpu.memory_space<vmem>>, vector<1x1x16xi32>,
      %swap3A_103 = vector.shape_cast %swap3A_102 : vector<1x1x16xi32> to vector<16xi32>
      %swap3A_104 = vector.shape_cast %add3A_97 : vector<16xi32> to vector<1x1x16xi32>
      tpu.vector_store %arg6[%swap3A_99, %swap3A_100, %swap3A_101], %swap3A_104 {strides = array<i32>} : memref<16x8x128xi32, #tpu.memory_space<vmem>>, vector<1x1x16xi32>,
      %get3A_105 = arith.constant 112 : index
      %get3A_106 = tpu.vector_load %arg5[%get3A_105] {strides = array<i32>} : memref<1024xi32, #tpu.memory_space<vmem>>, vector<16xi32>,
      %get3A_107 = vector.shape_cast %get3A_106 : vector<16xi32> to vector<16xi32>
      %add3A_108 = vector.broadcast %mul3A_22 : i32 to vector<16xi32>
      %add3A_109 = arith.addi %get3A_107, %add3A_108 : vector<16xi32>
      %swap3A_110 = arith.constant 0 : i32
      %swap3A_111 = arith.index_cast %scan3A_16 : i32 to index
      %swap3A_112 = arith.index_cast %swap3A_110 : i32 to index
      %swap3A_113 = arith.constant 112 : index
      %swap3A_114 = tpu.vector_load %arg6[%swap3A_111, %swap3A_112, %swap3A_113] {strides = array<i32>} : memref<16x8x128xi32, #tpu.memory_space<vmem>>, vector<1x1x16xi32>,
      %swap3A_115 = vector.shape_cast %swap3A_114 : vector<1x1x16xi32> to vector<16xi32>
      %swap3A_116 = vector.shape_cast %add3A_109 : vector<16xi32> to vector<1x1x16xi32>
      tpu.vector_store %arg6[%swap3A_111, %swap3A_112, %swap3A_113], %swap3A_116 {strides = array<i32>} : memref<16x8x128xi32, #tpu.memory_space<vmem>>, vector<1x1x16xi32>,
      %get3A_117 = arith.constant 128 : index
      %get3A_118 = tpu.vector_load %arg5[%get3A_117] {strides = array<i32>} : memref<1024xi32, #tpu.memory_space<vmem>>, vector<16xi32>,
      %get3A_119 = vector.shape_cast %get3A_118 : vector<16xi32> to vector<16xi32>
      %add3A_120 = vector.broadcast %mul3A_22 : i32 to vector<16xi32>
      %add3A_121 = arith.addi %get3A_119, %add3A_120 : vector<16xi32>
      %swap3A_122 = arith.constant 1 : i32
      %swap3A_123 = arith.index_cast %scan3A_16 : i32 to index
      %swap3A_124 = arith.index_cast %swap3A_122 : i32 to index
      %swap3A_125 = arith.constant 0 : index
      %swap3A_126 = tpu.vector_load %arg6[%swap3A_123, %swap3A_124, %swap3A_125] {strides = array<i32>} : memref<16x8x128xi32, #tpu.memory_space<vmem>>, vector<1x1x16xi32>,
      %swap3A_127 = vector.shape_cast %swap3A_126 : vector<1x1x16xi32> to vector<16xi32>
      %swap3A_128 = vector.shape_cast %add3A_121 : vector<16xi32> to vector<1x1x16xi32>
      tpu.vector_store %arg6[%swap3A_123, %swap3A_124, %swap3A_125], %swap3A_128 {strides = array<i32>} : memref<16x8x128xi32, #tpu.memory_space<vmem>>, vector<1x1x16xi32>,
      %get3A_129 = arith.constant 144 : index
      %get3A_130 = tpu.vector_load %arg5[%get3A_129] {strides = array<i32>} : memref<1024xi32, #tpu.memory_space<vmem>>, vector<16xi32>,
      %get3A_131 = vector.shape_cast %get3A_130 : vector<16xi32> to vector<16xi32>
      %add3A_132 = vector.broadcast %mul3A_22 : i32 to vector<16xi32>
      %add3A_133 = arith.addi %get3A_131, %add3A_132 : vector<16xi32>
      %swap3A_134 = arith.constant 1 : i32
      %swap3A_135 = arith.index_cast %scan3A_16 : i32 to index
      %swap3A_136 = arith.index_cast %swap3A_134 : i32 to index
      %swap3A_137 = arith.constant 16 : index
      %swap3A_138 = tpu.vector_load %arg6[%swap3A_135, %swap3A_136, %swap3A_137] {strides = array<i32>} : memref<16x8x128xi32, #tpu.memory_space<vmem>>, vector<1x1x16xi32>,
      %swap3A_139 = vector.shape_cast %swap3A_138 : vector<1x1x16xi32> to vector<16xi32>
      %swap3A_140 = vector.shape_cast %add3A_133 : vector<16xi32> to vector<1x1x16xi32>
      tpu.vector_store %arg6[%swap3A_135, %swap3A_136, %swap3A_137], %swap3A_140 {strides = array<i32>} : memref<16x8x128xi32, #tpu.memory_space<vmem>>, vector<1x1x16xi32>,
      %get3A_141 = arith.constant 160 : index
      %get3A_142 = tpu.vector_load %arg5[%get3A_141] {strides = array<i32>} : memref<1024xi32, #tpu.memory_space<vmem>>, vector<16xi32>,
      %get3A_143 = vector.shape_cast %get3A_142 : vector<16xi32> to vector<16xi32>
      %add3A_144 = vector.broadcast %mul3A_22 : i32 to vector<16xi32>
      %add3A_145 = arith.addi %get3A_143, %add3A_144 : vector<16xi32>
      %swap3A_146 = arith.constant 1 : i32
      %swap3A_147 = arith.index_cast %scan3A_16 : i32 to index
      %swap3A_148 = arith.index_cast %swap3A_146 : i32 to index
      %swap3A_149 = arith.constant 32 : index
      %swap3A_150 = tpu.vector_load %arg6[%swap3A_147, %swap3A_148, %swap3A_149] {strides = array<i32>} : memref<16x8x128xi32, #tpu.memory_space<vmem>>, vector<1x1x16xi32>,
      %swap3A_151 = vector.shape_cast %swap3A_150 : vector<1x1x16xi32> to vector<16xi32>
      %swap3A_152 = vector.shape_cast %add3A_145 : vector<16xi32> to vector<1x1x16xi32>
      tpu.vector_store %arg6[%swap3A_147, %swap3A_148, %swap3A_149], %swap3A_152 {strides = array<i32>} : memref<16x8x128xi32, #tpu.memory_space<vmem>>, vector<1x1x16xi32>,
      %get3A_153 = arith.constant 176 : index
      %get3A_154 = tpu.vector_load %arg5[%get3A_153] {strides = array<i32>} : memref<1024xi32, #tpu.memory_space<vmem>>, vector<16xi32>,
      %get3A_155 = vector.shape_cast %get3A_154 : vector<16xi32> to vector<16xi32>
      %add3A_156 = vector.broadcast %mul3A_22 : i32 to vector<16xi32>
      %add3A_157 = arith.addi %get3A_155, %add3A_156 : vector<16xi32>
      %swap3A_158 = arith.constant 1 : i32
      %swap3A_159 = arith.index_cast %scan3A_16 : i32 to index
      %swap3A_160 = arith.index_cast %swap3A_158 : i32 to index
      %swap3A_161 = arith.constant 48 : index
      %swap3A_162 = tpu.vector_load %arg6[%swap3A_159, %swap3A_160, %swap3A_161] {strides = array<i32>} : memref<16x8x128xi32, #tpu.memory_space<vmem>>, vector<1x1x16xi32>,
      %swap3A_163 = vector.shape_cast %swap3A_162 : vector<1x1x16xi32> to vector<16xi32>
      %swap3A_164 = vector.shape_cast %add3A_157 : vector<16xi32> to vector<1x1x16xi32>
      tpu.vector_store %arg6[%swap3A_159, %swap3A_160, %swap3A_161], %swap3A_164 {strides = array<i32>} : memref<16x8x128xi32, #tpu.memory_space<vmem>>, vector<1x1x16xi32>,
      %get3A_165 = arith.constant 192 : index
      %get3A_166 = tpu.vector_load %arg5[%get3A_165] {strides = array<i32>} : memref<1024xi32, #tpu.memory_space<vmem>>, vector<16xi32>,
      %get3A_167 = vector.shape_cast %get3A_166 : vector<16xi32> to vector<16xi32>
      %add3A_168 = vector.broadcast %mul3A_22 : i32 to vector<16xi32>
      %add3A_169 = arith.addi %get3A_167, %add3A_168 : vector<16xi32>
      %swap3A_170 = arith.constant 1 : i32
      %swap3A_171 = arith.index_cast %scan3A_16 : i32 to index
      %swap3A_172 = arith.index_cast %swap3A_170 : i32 to index
      %swap3A_173 = arith.constant 64 : index
      %swap3A_174 = tpu.vector_load %arg6[%swap3A_171, %swap3A_172, %swap3A_173] {strides = array<i32>} : memref<16x8x128xi32, #tpu.memory_space<vmem>>, vector<1x1x16xi32>,
      %swap3A_175 = vector.shape_cast %swap3A_174 : vector<1x1x16xi32> to vector<16xi32>
      %swap3A_176 = vector.shape_cast %add3A_169 : vector<16xi32> to vector<1x1x16xi32>
      tpu.vector_store %arg6[%swap3A_171, %swap3A_172, %swap3A_173], %swap3A_176 {strides = array<i32>} : memref<16x8x128xi32, #tpu.memory_space<vmem>>, vector<1x1x16xi32>,
      %get3A_177 = arith.constant 208 : index
      %get3A_178 = tpu.vector_load %arg5[%get3A_177] {strides = array<i32>} : memref<1024xi32, #tpu.memory_space<vmem>>, vector<16xi32>,
      %get3A_179 = vector.shape_cast %get3A_178 : vector<16xi32> to vector<16xi32>
      %add3A_180 = vector.broadcast %mul3A_22 : i32 to vector<16xi32>
      %add3A_181 = arith.addi %get3A_179, %add3A_180 : vector<16xi32>
      %swap3A_182 = arith.constant 1 : i32
      %swap3A_183 = arith.index_cast %scan3A_16 : i32 to index
      %swap3A_184 = arith.index_cast %swap3A_182 : i32 to index
      %swap3A_185 = arith.constant 80 : index
      %swap3A_186 = tpu.vector_load %arg6[%swap3A_183, %swap3A_184, %swap3A_185] {strides = array<i32>} : memref<16x8x128xi32, #tpu.memory_space<vmem>>, vector<1x1x16xi32>,
      %swap3A_187 = vector.shape_cast %swap3A_186 : vector<1x1x16xi32> to vector<16xi32>
      %swap3A_188 = vector.shape_cast %add3A_181 : vector<16xi32> to vector<1x1x16xi32>
      tpu.vector_store %arg6[%swap3A_183, %swap3A_184, %swap3A_185], %swap3A_188 {strides = array<i32>} : memref<16x8x128xi32, #tpu.memory_space<vmem>>, vector<1x1x16xi32>,
      %get3A_189 = arith.constant 224 : index
      %get3A_190 = tpu.vector_load %arg5[%get3A_189] {strides = array<i32>} : memref<1024xi32, #tpu.memory_space<vmem>>, vector<16xi32>,
      %get3A_191 = vector.shape_cast %get3A_190 : vector<16xi32> to vector<16xi32>
      %add3A_192 = vector.broadcast %mul3A_22 : i32 to vector<16xi32>
      %add3A_193 = arith.addi %get3A_191, %add3A_192 : vector<16xi32>
      %swap3A_194 = arith.constant 1 : i32
      %swap3A_195 = arith.index_cast %scan3A_16 : i32 to index
      %swap3A_196 = arith.index_cast %swap3A_194 : i32 to index
      %swap3A_197 = arith.constant 96 : index
      %swap3A_198 = tpu.vector_load %arg6[%swap3A_195, %swap3A_196, %swap3A_197] {strides = array<i32>} : memref<16x8x128xi32, #tpu.memory_space<vmem>>, vector<1x1x16xi32>,
      %swap3A_199 = vector.shape_cast %swap3A_198 : vector<1x1x16xi32> to vector<16xi32>
      %swap3A_200 = vector.shape_cast %add3A_193 : vector<16xi32> to vector<1x1x16xi32>
      tpu.vector_store %arg6[%swap3A_195, %swap3A_196, %swap3A_197], %swap3A_200 {strides = array<i32>} : memref<16x8x128xi32, #tpu.memory_space<vmem>>, vector<1x1x16xi32>,
      %get3A_201 = arith.constant 240 : index
      %get3A_202 = tpu.vector_load %arg5[%get3A_201] {strides = array<i32>} : memref<1024xi32, #tpu.memory_space<vmem>>, vector<16xi32>,
      %get3A_203 = vector.shape_cast %get3A_202 : vector<16xi32> to vector<16xi32>
      %add3A_204 = vector.broadcast %mul3A_22 : i32 to vector<16xi32>
      %add3A_205 = arith.addi %get3A_203, %add3A_204 : vector<16xi32>
      %swap3A_206 = arith.constant 1 : i32
      %swap3A_207 = arith.index_cast %scan3A_16 : i32 to index
      %swap3A_208 = arith.index_cast %swap3A_206 : i32 to index
      %swap3A_209 = arith.constant 112 : index
      %swap3A_210 = tpu.vector_load %arg6[%swap3A_207, %swap3A_208, %swap3A_209] {strides = array<i32>} : memref<16x8x128xi32, #tpu.memory_space<vmem>>, vector<1x1x16xi32>,
      %swap3A_211 = vector.shape_cast %swap3A_210 : vector<1x1x16xi32> to vector<16xi32>
      %swap3A_212 = vector.shape_cast %add3A_205 : vector<16xi32> to vector<1x1x16xi32>
      tpu.vector_store %arg6[%swap3A_207, %swap3A_208, %swap3A_209], %swap3A_212 {strides = array<i32>} : memref<16x8x128xi32, #tpu.memory_space<vmem>>, vector<1x1x16xi32>,
      %get3A_213 = arith.constant 256 : index
      %get3A_214 = tpu.vector_load %arg5[%get3A_213] {strides = array<i32>} : memref<1024xi32, #tpu.memory_space<vmem>>, vector<16xi32>,
      %get3A_215 = vector.shape_cast %get3A_214 : vector<16xi32> to vector<16xi32>
      %add3A_216 = vector.broadcast %mul3A_22 : i32 to vector<16xi32>
      %add3A_217 = arith.addi %get3A_215, %add3A_216 : vector<16xi32>
      %swap3A_218 = arith.constant 2 : i32
      %swap3A_219 = arith.index_cast %scan3A_16 : i32 to index
      %swap3A_220 = arith.index_cast %swap3A_218 : i32 to index
      %swap3A_221 = arith.constant 0 : index
      %swap3A_222 = tpu.vector_load %arg6[%swap3A_219, %swap3A_220, %swap3A_221] {strides = array<i32>} : memref<16x8x128xi32, #tpu.memory_space<vmem>>, vector<1x1x16xi32>,
      %swap3A_223 = vector.shape_cast %swap3A_222 : vector<1x1x16xi32> to vector<16xi32>
      %swap3A_224 = vector.shape_cast %add3A_217 : vector<16xi32> to vector<1x1x16xi32>
      tpu.vector_store %arg6[%swap3A_219, %swap3A_220, %swap3A_221], %swap3A_224 {strides = array<i32>} : memref<16x8x128xi32, #tpu.memory_space<vmem>>, vector<1x1x16xi32>,
      %get3A_225 = arith.constant 272 : index
      %get3A_226 = tpu.vector_load %arg5[%get3A_225] {strides = array<i32>} : memref<1024xi32, #tpu.memory_space<vmem>>, vector<16xi32>,
      %get3A_227 = vector.shape_cast %get3A_226 : vector<16xi32> to vector<16xi32>
      %add3A_228 = vector.broadcast %mul3A_22 : i32 to vector<16xi32>
      %add3A_229 = arith.addi %get3A_227, %add3A_228 : vector<16xi32>
      %swap3A_230 = arith.constant 2 : i32
      %swap3A_231 = arith.index_cast %scan3A_16 : i32 to index
      %swap3A_232 = arith.index_cast %swap3A_230 : i32 to index
      %swap3A_233 = arith.constant 16 : index
      %swap3A_234 = tpu.vector_load %arg6[%swap3A_231, %swap3A_232, %swap3A_233] {strides = array<i32>} : memref<16x8x128xi32, #tpu.memory_space<vmem>>, vector<1x1x16xi32>,
      %swap3A_235 = vector.shape_cast %swap3A_234 : vector<1x1x16xi32> to vector<16xi32>
      %swap3A_236 = vector.shape_cast %add3A_229 : vector<16xi32> to vector<1x1x16xi32>
      tpu.vector_store %arg6[%swap3A_231, %swap3A_232, %swap3A_233], %swap3A_236 {strides = array<i32>} : memref<16x8x128xi32, #tpu.memory_space<vmem>>, vector<1x1x16xi32>,
      %get3A_237 = arith.constant 288 : index
      %get3A_238 = tpu.vector_load %arg5[%get3A_237] {strides = array<i32>} : memref<1024xi32, #tpu.memory_space<vmem>>, vector<16xi32>,
      %get3A_239 = vector.shape_cast %get3A_238 : vector<16xi32> to vector<16xi32>
      %add3A_240 = vector.broadcast %mul3A_22 : i32 to vector<16xi32>
      %add3A_241 = arith.addi %get3A_239, %add3A_240 : vector<16xi32>
      %swap3A_242 = arith.constant 2 : i32
      %swap3A_243 = arith.index_cast %scan3A_16 : i32 to index
      %swap3A_244 = arith.index_cast %swap3A_242 : i32 to index
      %swap3A_245 = arith.constant 32 : index
      %swap3A_246 = tpu.vector_load %arg6[%swap3A_243, %swap3A_244, %swap3A_245] {strides = array<i32>} : memref<16x8x128xi32, #tpu.memory_space<vmem>>, vector<1x1x16xi32>,
      %swap3A_247 = vector.shape_cast %swap3A_246 : vector<1x1x16xi32> to vector<16xi32>
      %swap3A_248 = vector.shape_cast %add3A_241 : vector<16xi32> to vector<1x1x16xi32>
      tpu.vector_store %arg6[%swap3A_243, %swap3A_244, %swap3A_245], %swap3A_248 {strides = array<i32>} : memref<16x8x128xi32, #tpu.memory_space<vmem>>, vector<1x1x16xi32>,
      %get3A_249 = arith.constant 304 : index
      %get3A_250 = tpu.vector_load %arg5[%get3A_249] {strides = array<i32>} : memref<1024xi32, #tpu.memory_space<vmem>>, vector<16xi32>,
      %get3A_251 = vector.shape_cast %get3A_250 : vector<16xi32> to vector<16xi32>
      %add3A_252 = vector.broadcast %mul3A_22 : i32 to vector<16xi32>
      %add3A_253 = arith.addi %get3A_251, %add3A_252 : vector<16xi32>
      %swap3A_254 = arith.constant 2 : i32
      %swap3A_255 = arith.index_cast %scan3A_16 : i32 to index
      %swap3A_256 = arith.index_cast %swap3A_254 : i32 to index
      %swap3A_257 = arith.constant 48 : index
      %swap3A_258 = tpu.vector_load %arg6[%swap3A_255, %swap3A_256, %swap3A_257] {strides = array<i32>} : memref<16x8x128xi32, #tpu.memory_space<vmem>>, vector<1x1x16xi32>,
      %swap3A_259 = vector.shape_cast %swap3A_258 : vector<1x1x16xi32> to vector<16xi32>
      %swap3A_260 = vector.shape_cast %add3A_253 : vector<16xi32> to vector<1x1x16xi32>
      tpu.vector_store %arg6[%swap3A_255, %swap3A_256, %swap3A_257], %swap3A_260 {strides = array<i32>} : memref<16x8x128xi32, #tpu.memory_space<vmem>>, vector<1x1x16xi32>,
      %get3A_261 = arith.constant 320 : index
      %get3A_262 = tpu.vector_load %arg5[%get3A_261] {strides = array<i32>} : memref<1024xi32, #tpu.memory_space<vmem>>, vector<16xi32>,
      %get3A_263 = vector.shape_cast %get3A_262 : vector<16xi32> to vector<16xi32>
      %add3A_264 = vector.broadcast %mul3A_22 : i32 to vector<16xi32>
      %add3A_265 = arith.addi %get3A_263, %add3A_264 : vector<16xi32>
      %swap3A_266 = arith.constant 2 : i32
      %swap3A_267 = arith.index_cast %scan3A_16 : i32 to index
      %swap3A_268 = arith.index_cast %swap3A_266 : i32 to index
      %swap3A_269 = arith.constant 64 : index
      %swap3A_270 = tpu.vector_load %arg6[%swap3A_267, %swap3A_268, %swap3A_269] {strides = array<i32>} : memref<16x8x128xi32, #tpu.memory_space<vmem>>, vector<1x1x16xi32>,
      %swap3A_271 = vector.shape_cast %swap3A_270 : vector<1x1x16xi32> to vector<16xi32>
      %swap3A_272 = vector.shape_cast %add3A_265 : vector<16xi32> to vector<1x1x16xi32>
      tpu.vector_store %arg6[%swap3A_267, %swap3A_268, %swap3A_269], %swap3A_272 {strides = array<i32>} : memref<16x8x128xi32, #tpu.memory_space<vmem>>, vector<1x1x16xi32>,
      %get3A_273 = arith.constant 336 : index
      %get3A_274 = tpu.vector_load %arg5[%get3A_273] {strides = array<i32>} : memref<1024xi32, #tpu.memory_space<vmem>>, vector<16xi32>,
      %get3A_275 = vector.shape_cast %get3A_274 : vector<16xi32> to vector<16xi32>
      %add3A_276 = vector.broadcast %mul3A_22 : i32 to vector<16xi32>
      %add3A_277 = arith.addi %get3A_275, %add3A_276 : vector<16xi32>
      %swap3A_278 = arith.constant 2 : i32
      %swap3A_279 = arith.index_cast %scan3A_16 : i32 to index
      %swap3A_280 = arith.index_cast %swap3A_278 : i32 to index
      %swap3A_281 = arith.constant 80 : index
      %swap3A_282 = tpu.vector_load %arg6[%swap3A_279, %swap3A_280, %swap3A_281] {strides = array<i32>} : memref<16x8x128xi32, #tpu.memory_space<vmem>>, vector<1x1x16xi32>,
      %swap3A_283 = vector.shape_cast %swap3A_282 : vector<1x1x16xi32> to vector<16xi32>
      %swap3A_284 = vector.shape_cast %add3A_277 : vector<16xi32> to vector<1x1x16xi32>
      tpu.vector_store %arg6[%swap3A_279, %swap3A_280, %swap3A_281], %swap3A_284 {strides = array<i32>} : memref<16x8x128xi32, #tpu.memory_space<vmem>>, vector<1x1x16xi32>,
      %get3A_285 = arith.constant 352 : index
      %get3A_286 = tpu.vector_load %arg5[%get3A_285] {strides = array<i32>} : memref<1024xi32, #tpu.memory_space<vmem>>, vector<16xi32>,
      %get3A_287 = vector.shape_cast %get3A_286 : vector<16xi32> to vector<16xi32>
      %add3A_288 = vector.broadcast %mul3A_22 : i32 to vector<16xi32>
      %add3A_289 = arith.addi %get3A_287, %add3A_288 : vector<16xi32>
      %swap3A_290 = arith.constant 2 : i32
      %swap3A_291 = arith.index_cast %scan3A_16 : i32 to index
      %swap3A_292 = arith.index_cast %swap3A_290 : i32 to index
      %swap3A_293 = arith.constant 96 : index
      %swap3A_294 = tpu.vector_load %arg6[%swap3A_291, %swap3A_292, %swap3A_293] {strides = array<i32>} : memref<16x8x128xi32, #tpu.memory_space<vmem>>, vector<1x1x16xi32>,
      %swap3A_295 = vector.shape_cast %swap3A_294 : vector<1x1x16xi32> to vector<16xi32>
      %swap3A_296 = vector.shape_cast %add3A_289 : vector<16xi32> to vector<1x1x16xi32>
      tpu.vector_store %arg6[%swap3A_291, %swap3A_292, %swap3A_293], %swap3A_296 {strides = array<i32>} : memref<16x8x128xi32, #tpu.memory_space<vmem>>, vector<1x1x16xi32>,
      %get3A_297 = arith.constant 368 : index
      %get3A_298 = tpu.vector_load %arg5[%get3A_297] {strides = array<i32>} : memref<1024xi32, #tpu.memory_space<vmem>>, vector<16xi32>,
      %get3A_299 = vector.shape_cast %get3A_298 : vector<16xi32> to vector<16xi32>
      %add3A_300 = vector.broadcast %mul3A_22 : i32 to vector<16xi32>
      %add3A_301 = arith.addi %get3A_299, %add3A_300 : vector<16xi32>
      %swap3A_302 = arith.constant 2 : i32
      %swap3A_303 = arith.index_cast %scan3A_16 : i32 to index
      %swap3A_304 = arith.index_cast %swap3A_302 : i32 to index
      %swap3A_305 = arith.constant 112 : index
      %swap3A_306 = tpu.vector_load %arg6[%swap3A_303, %swap3A_304, %swap3A_305] {strides = array<i32>} : memref<16x8x128xi32, #tpu.memory_space<vmem>>, vector<1x1x16xi32>,
      %swap3A_307 = vector.shape_cast %swap3A_306 : vector<1x1x16xi32> to vector<16xi32>
      %swap3A_308 = vector.shape_cast %add3A_301 : vector<16xi32> to vector<1x1x16xi32>
      tpu.vector_store %arg6[%swap3A_303, %swap3A_304, %swap3A_305], %swap3A_308 {strides = array<i32>} : memref<16x8x128xi32, #tpu.memory_space<vmem>>, vector<1x1x16xi32>,
      %get3A_309 = arith.constant 384 : index
      %get3A_310 = tpu.vector_load %arg5[%get3A_309] {strides = array<i32>} : memref<1024xi32, #tpu.memory_space<vmem>>, vector<16xi32>,
      %get3A_311 = vector.shape_cast %get3A_310 : vector<16xi32> to vector<16xi32>
      %add3A_312 = vector.broadcast %mul3A_22 : i32 to vector<16xi32>
      %add3A_313 = arith.addi %get3A_311, %add3A_312 : vector<16xi32>
      %swap3A_314 = arith.constant 3 : i32
      %swap3A_315 = arith.index_cast %scan3A_16 : i32 to index
      %swap3A_316 = arith.index_cast %swap3A_314 : i32 to index
      %swap3A_317 = arith.constant 0 : index
      %swap3A_318 = tpu.vector_load %arg6[%swap3A_315, %swap3A_316, %swap3A_317] {strides = array<i32>} : memref<16x8x128xi32, #tpu.memory_space<vmem>>, vector<1x1x16xi32>,
      %swap3A_319 = vector.shape_cast %swap3A_318 : vector<1x1x16xi32> to vector<16xi32>
      %swap3A_320 = vector.shape_cast %add3A_313 : vector<16xi32> to vector<1x1x16xi32>
      tpu.vector_store %arg6[%swap3A_315, %swap3A_316, %swap3A_317], %swap3A_320 {strides = array<i32>} : memref<16x8x128xi32, #tpu.memory_space<vmem>>, vector<1x1x16xi32>,
      %get3A_321 = arith.constant 400 : index
      %get3A_322 = tpu.vector_load %arg5[%get3A_321] {strides = array<i32>} : memref<1024xi32, #tpu.memory_space<vmem>>, vector<16xi32>,
      %get3A_323 = vector.shape_cast %get3A_322 : vector<16xi32> to vector<16xi32>
      %add3A_324 = vector.broadcast %mul3A_22 : i32 to vector<16xi32>
      %add3A_325 = arith.addi %get3A_323, %add3A_324 : vector<16xi32>
      %swap3A_326 = arith.constant 3 : i32
      %swap3A_327 = arith.index_cast %scan3A_16 : i32 to index
      %swap3A_328 = arith.index_cast %swap3A_326 : i32 to index
      %swap3A_329 = arith.constant 16 : index
      %swap3A_330 = tpu.vector_load %arg6[%swap3A_327, %swap3A_328, %swap3A_329] {strides = array<i32>} : memref<16x8x128xi32, #tpu.memory_space<vmem>>, vector<1x1x16xi32>,
      %swap3A_331 = vector.shape_cast %swap3A_330 : vector<1x1x16xi32> to vector<16xi32>
      %swap3A_332 = vector.shape_cast %add3A_325 : vector<16xi32> to vector<1x1x16xi32>
      tpu.vector_store %arg6[%swap3A_327, %swap3A_328, %swap3A_329], %swap3A_332 {strides = array<i32>} : memref<16x8x128xi32, #tpu.memory_space<vmem>>, vector<1x1x16xi32>,
      %get3A_333 = arith.constant 416 : index
      %get3A_334 = tpu.vector_load %arg5[%get3A_333] {strides = array<i32>} : memref<1024xi32, #tpu.memory_space<vmem>>, vector<16xi32>,
      %get3A_335 = vector.shape_cast %get3A_334 : vector<16xi32> to vector<16xi32>
      %add3A_336 = vector.broadcast %mul3A_22 : i32 to vector<16xi32>
      %add3A_337 = arith.addi %get3A_335, %add3A_336 : vector<16xi32>
      %swap3A_338 = arith.constant 3 : i32
      %swap3A_339 = arith.index_cast %scan3A_16 : i32 to index
      %swap3A_340 = arith.index_cast %swap3A_338 : i32 to index
      %swap3A_341 = arith.constant 32 : index
      %swap3A_342 = tpu.vector_load %arg6[%swap3A_339, %swap3A_340, %swap3A_341] {strides = array<i32>} : memref<16x8x128xi32, #tpu.memory_space<vmem>>, vector<1x1x16xi32>,
      %swap3A_343 = vector.shape_cast %swap3A_342 : vector<1x1x16xi32> to vector<16xi32>
      %swap3A_344 = vector.shape_cast %add3A_337 : vector<16xi32> to vector<1x1x16xi32>
      tpu.vector_store %arg6[%swap3A_339, %swap3A_340, %swap3A_341], %swap3A_344 {strides = array<i32>} : memref<16x8x128xi32, #tpu.memory_space<vmem>>, vector<1x1x16xi32>,
      %get3A_345 = arith.constant 432 : index
      %get3A_346 = tpu.vector_load %arg5[%get3A_345] {strides = array<i32>} : memref<1024xi32, #tpu.memory_space<vmem>>, vector<16xi32>,
      %get3A_347 = vector.shape_cast %get3A_346 : vector<16xi32> to vector<16xi32>
      %add3A_348 = vector.broadcast %mul3A_22 : i32 to vector<16xi32>
      %add3A_349 = arith.addi %get3A_347, %add3A_348 : vector<16xi32>
      %swap3A_350 = arith.constant 3 : i32
      %swap3A_351 = arith.index_cast %scan3A_16 : i32 to index
      %swap3A_352 = arith.index_cast %swap3A_350 : i32 to index
      %swap3A_353 = arith.constant 48 : index
      %swap3A_354 = tpu.vector_load %arg6[%swap3A_351, %swap3A_352, %swap3A_353] {strides = array<i32>} : memref<16x8x128xi32, #tpu.memory_space<vmem>>, vector<1x1x16xi32>,
      %swap3A_355 = vector.shape_cast %swap3A_354 : vector<1x1x16xi32> to vector<16xi32>
      %swap3A_356 = vector.shape_cast %add3A_349 : vector<16xi32> to vector<1x1x16xi32>
      tpu.vector_store %arg6[%swap3A_351, %swap3A_352, %swap3A_353], %swap3A_356 {strides = array<i32>} : memref<16x8x128xi32, #tpu.memory_space<vmem>>, vector<1x1x16xi32>,
      %get3A_357 = arith.constant 448 : index
      %get3A_358 = tpu.vector_load %arg5[%get3A_357] {strides = array<i32>} : memref<1024xi32, #tpu.memory_space<vmem>>, vector<16xi32>,
      %get3A_359 = vector.shape_cast %get3A_358 : vector<16xi32> to vector<16xi32>
      %add3A_360 = vector.broadcast %mul3A_22 : i32 to vector<16xi32>
      %add3A_361 = arith.addi %get3A_359, %add3A_360 : vector<16xi32>
      %swap3A_362 = arith.constant 3 : i32
      %swap3A_363 = arith.index_cast %scan3A_16 : i32 to index
      %swap3A_364 = arith.index_cast %swap3A_362 : i32 to index
      %swap3A_365 = arith.constant 64 : index
      %swap3A_366 = tpu.vector_load %arg6[%swap3A_363, %swap3A_364, %swap3A_365] {strides = array<i32>} : memref<16x8x128xi32, #tpu.memory_space<vmem>>, vector<1x1x16xi32>,
      %swap3A_367 = vector.shape_cast %swap3A_366 : vector<1x1x16xi32> to vector<16xi32>
      %swap3A_368 = vector.shape_cast %add3A_361 : vector<16xi32> to vector<1x1x16xi32>
      tpu.vector_store %arg6[%swap3A_363, %swap3A_364, %swap3A_365], %swap3A_368 {strides = array<i32>} : memref<16x8x128xi32, #tpu.memory_space<vmem>>, vector<1x1x16xi32>,
      %get3A_369 = arith.constant 464 : index
      %get3A_370 = tpu.vector_load %arg5[%get3A_369] {strides = array<i32>} : memref<1024xi32, #tpu.memory_space<vmem>>, vector<16xi32>,
      %get3A_371 = vector.shape_cast %get3A_370 : vector<16xi32> to vector<16xi32>
      %add3A_372 = vector.broadcast %mul3A_22 : i32 to vector<16xi32>
      %add3A_373 = arith.addi %get3A_371, %add3A_372 : vector<16xi32>
      %swap3A_374 = arith.constant 3 : i32
      %swap3A_375 = arith.index_cast %scan3A_16 : i32 to index
      %swap3A_376 = arith.index_cast %swap3A_374 : i32 to index
      %swap3A_377 = arith.constant 80 : index
      %swap3A_378 = tpu.vector_load %arg6[%swap3A_375, %swap3A_376, %swap3A_377] {strides = array<i32>} : memref<16x8x128xi32, #tpu.memory_space<vmem>>, vector<1x1x16xi32>,
      %swap3A_379 = vector.shape_cast %swap3A_378 : vector<1x1x16xi32> to vector<16xi32>
      %swap3A_380 = vector.shape_cast %add3A_373 : vector<16xi32> to vector<1x1x16xi32>
      tpu.vector_store %arg6[%swap3A_375, %swap3A_376, %swap3A_377], %swap3A_380 {strides = array<i32>} : memref<16x8x128xi32, #tpu.memory_space<vmem>>, vector<1x1x16xi32>,
      %get3A_381 = arith.constant 480 : index
      %get3A_382 = tpu.vector_load %arg5[%get3A_381] {strides = array<i32>} : memref<1024xi32, #tpu.memory_space<vmem>>, vector<16xi32>,
      %get3A_383 = vector.shape_cast %get3A_382 : vector<16xi32> to vector<16xi32>
      %add3A_384 = vector.broadcast %mul3A_22 : i32 to vector<16xi32>
      %add3A_385 = arith.addi %get3A_383, %add3A_384 : vector<16xi32>
      %swap3A_386 = arith.constant 3 : i32
      %swap3A_387 = arith.index_cast %scan3A_16 : i32 to index
      %swap3A_388 = arith.index_cast %swap3A_386 : i32 to index
      %swap3A_389 = arith.constant 96 : index
      %swap3A_390 = tpu.vector_load %arg6[%swap3A_387, %swap3A_388, %swap3A_389] {strides = array<i32>} : memref<16x8x128xi32, #tpu.memory_space<vmem>>, vector<1x1x16xi32>,
      %swap3A_391 = vector.shape_cast %swap3A_390 : vector<1x1x16xi32> to vector<16xi32>
      %swap3A_392 = vector.shape_cast %add3A_385 : vector<16xi32> to vector<1x1x16xi32>
      tpu.vector_store %arg6[%swap3A_387, %swap3A_388, %swap3A_389], %swap3A_392 {strides = array<i32>} : memref<16x8x128xi32, #tpu.memory_space<vmem>>, vector<1x1x16xi32>,
      %get3A_393 = arith.constant 496 : index
      %get3A_394 = tpu.vector_load %arg5[%get3A_393] {strides = array<i32>} : memref<1024xi32, #tpu.memory_space<vmem>>, vector<16xi32>,
      %get3A_395 = vector.shape_cast %get3A_394 : vector<16xi32> to vector<16xi32>
      %add3A_396 = vector.broadcast %mul3A_22 : i32 to vector<16xi32>
      %add3A_397 = arith.addi %get3A_395, %add3A_396 : vector<16xi32>
      %swap3A_398 = arith.constant 3 : i32
      %swap3A_399 = arith.index_cast %scan3A_16 : i32 to index
      %swap3A_400 = arith.index_cast %swap3A_398 : i32 to index
      %swap3A_401 = arith.constant 112 : index
      %swap3A_402 = tpu.vector_load %arg6[%swap3A_399, %swap3A_400, %swap3A_401] {strides = array<i32>} : memref<16x8x128xi32, #tpu.memory_space<vmem>>, vector<1x1x16xi32>,
      %swap3A_403 = vector.shape_cast %swap3A_402 : vector<1x1x16xi32> to vector<16xi32>
      %swap3A_404 = vector.shape_cast %add3A_397 : vector<16xi32> to vector<1x1x16xi32>
      tpu.vector_store %arg6[%swap3A_399, %swap3A_400, %swap3A_401], %swap3A_404 {strides = array<i32>} : memref<16x8x128xi32, #tpu.memory_space<vmem>>, vector<1x1x16xi32>,
      %get3A_405 = arith.constant 512 : index
      %get3A_406 = tpu.vector_load %arg5[%get3A_405] {strides = array<i32>} : memref<1024xi32, #tpu.memory_space<vmem>>, vector<16xi32>,
      %get3A_407 = vector.shape_cast %get3A_406 : vector<16xi32> to vector<16xi32>
      %add3A_408 = vector.broadcast %mul3A_22 : i32 to vector<16xi32>
      %add3A_409 = arith.addi %get3A_407, %add3A_408 : vector<16xi32>
      %swap3A_410 = arith.constant 4 : i32
      %swap3A_411 = arith.index_cast %scan3A_16 : i32 to index
      %swap3A_412 = arith.index_cast %swap3A_410 : i32 to index
      %swap3A_413 = arith.constant 0 : index
      %swap3A_414 = tpu.vector_load %arg6[%swap3A_411, %swap3A_412, %swap3A_413] {strides = array<i32>} : memref<16x8x128xi32, #tpu.memory_space<vmem>>, vector<1x1x16xi32>,
      %swap3A_415 = vector.shape_cast %swap3A_414 : vector<1x1x16xi32> to vector<16xi32>
      %swap3A_416 = vector.shape_cast %add3A_409 : vector<16xi32> to vector<1x1x16xi32>
      tpu.vector_store %arg6[%swap3A_411, %swap3A_412, %swap3A_413], %swap3A_416 {strides = array<i32>} : memref<16x8x128xi32, #tpu.memory_space<vmem>>, vector<1x1x16xi32>,
      %get3A_417 = arith.constant 528 : index
      %get3A_418 = tpu.vector_load %arg5[%get3A_417] {strides = array<i32>} : memref<1024xi32, #tpu.memory_space<vmem>>, vector<16xi32>,
      %get3A_419 = vector.shape_cast %get3A_418 : vector<16xi32> to vector<16xi32>
      %add3A_420 = vector.broadcast %mul3A_22 : i32 to vector<16xi32>
      %add3A_421 = arith.addi %get3A_419, %add3A_420 : vector<16xi32>
      %swap3A_422 = arith.constant 4 : i32
      %swap3A_423 = arith.index_cast %scan3A_16 : i32 to index
      %swap3A_424 = arith.index_cast %swap3A_422 : i32 to index
      %swap3A_425 = arith.constant 16 : index
      %swap3A_426 = tpu.vector_load %arg6[%swap3A_423, %swap3A_424, %swap3A_425] {strides = array<i32>} : memref<16x8x128xi32, #tpu.memory_space<vmem>>, vector<1x1x16xi32>,
      %swap3A_427 = vector.shape_cast %swap3A_426 : vector<1x1x16xi32> to vector<16xi32>
      %swap3A_428 = vector.shape_cast %add3A_421 : vector<16xi32> to vector<1x1x16xi32>
      tpu.vector_store %arg6[%swap3A_423, %swap3A_424, %swap3A_425], %swap3A_428 {strides = array<i32>} : memref<16x8x128xi32, #tpu.memory_space<vmem>>, vector<1x1x16xi32>,
      %get3A_429 = arith.constant 544 : index
      %get3A_430 = tpu.vector_load %arg5[%get3A_429] {strides = array<i32>} : memref<1024xi32, #tpu.memory_space<vmem>>, vector<16xi32>,
      %get3A_431 = vector.shape_cast %get3A_430 : vector<16xi32> to vector<16xi32>
      %add3A_432 = vector.broadcast %mul3A_22 : i32 to vector<16xi32>
      %add3A_433 = arith.addi %get3A_431, %add3A_432 : vector<16xi32>
      %swap3A_434 = arith.constant 4 : i32
      %swap3A_435 = arith.index_cast %scan3A_16 : i32 to index
      %swap3A_436 = arith.index_cast %swap3A_434 : i32 to index
      %swap3A_437 = arith.constant 32 : index
      %swap3A_438 = tpu.vector_load %arg6[%swap3A_435, %swap3A_436, %swap3A_437] {strides = array<i32>} : memref<16x8x128xi32, #tpu.memory_space<vmem>>, vector<1x1x16xi32>,
      %swap3A_439 = vector.shape_cast %swap3A_438 : vector<1x1x16xi32> to vector<16xi32>
      %swap3A_440 = vector.shape_cast %add3A_433 : vector<16xi32> to vector<1x1x16xi32>
      tpu.vector_store %arg6[%swap3A_435, %swap3A_436, %swap3A_437], %swap3A_440 {strides = array<i32>} : memref<16x8x128xi32, #tpu.memory_space<vmem>>, vector<1x1x16xi32>,
      %get3A_441 = arith.constant 560 : index
      %get3A_442 = tpu.vector_load %arg5[%get3A_441] {strides = array<i32>} : memref<1024xi32, #tpu.memory_space<vmem>>, vector<16xi32>,
      %get3A_443 = vector.shape_cast %get3A_442 : vector<16xi32> to vector<16xi32>
      %add3A_444 = vector.broadcast %mul3A_22 : i32 to vector<16xi32>
      %add3A_445 = arith.addi %get3A_443, %add3A_444 : vector<16xi32>
      %swap3A_446 = arith.constant 4 : i32
      %swap3A_447 = arith.index_cast %scan3A_16 : i32 to index
      %swap3A_448 = arith.index_cast %swap3A_446 : i32 to index
      %swap3A_449 = arith.constant 48 : index
      %swap3A_450 = tpu.vector_load %arg6[%swap3A_447, %swap3A_448, %swap3A_449] {strides = array<i32>} : memref<16x8x128xi32, #tpu.memory_space<vmem>>, vector<1x1x16xi32>,
      %swap3A_451 = vector.shape_cast %swap3A_450 : vector<1x1x16xi32> to vector<16xi32>
      %swap3A_452 = vector.shape_cast %add3A_445 : vector<16xi32> to vector<1x1x16xi32>
      tpu.vector_store %arg6[%swap3A_447, %swap3A_448, %swap3A_449], %swap3A_452 {strides = array<i32>} : memref<16x8x128xi32, #tpu.memory_space<vmem>>, vector<1x1x16xi32>,
      %get3A_453 = arith.constant 576 : index
      %get3A_454 = tpu.vector_load %arg5[%get3A_453] {strides = array<i32>} : memref<1024xi32, #tpu.memory_space<vmem>>, vector<16xi32>,
      %get3A_455 = vector.shape_cast %get3A_454 : vector<16xi32> to vector<16xi32>
      %add3A_456 = vector.broadcast %mul3A_22 : i32 to vector<16xi32>
      %add3A_457 = arith.addi %get3A_455, %add3A_456 : vector<16xi32>
      %swap3A_458 = arith.constant 4 : i32
      %swap3A_459 = arith.index_cast %scan3A_16 : i32 to index
      %swap3A_460 = arith.index_cast %swap3A_458 : i32 to index
      %swap3A_461 = arith.constant 64 : index
      %swap3A_462 = tpu.vector_load %arg6[%swap3A_459, %swap3A_460, %swap3A_461] {strides = array<i32>} : memref<16x8x128xi32, #tpu.memory_space<vmem>>, vector<1x1x16xi32>,
      %swap3A_463 = vector.shape_cast %swap3A_462 : vector<1x1x16xi32> to vector<16xi32>
      %swap3A_464 = vector.shape_cast %add3A_457 : vector<16xi32> to vector<1x1x16xi32>
      tpu.vector_store %arg6[%swap3A_459, %swap3A_460, %swap3A_461], %swap3A_464 {strides = array<i32>} : memref<16x8x128xi32, #tpu.memory_space<vmem>>, vector<1x1x16xi32>,
      %get3A_465 = arith.constant 592 : index
      %get3A_466 = tpu.vector_load %arg5[%get3A_465] {strides = array<i32>} : memref<1024xi32, #tpu.memory_space<vmem>>, vector<16xi32>,
      %get3A_467 = vector.shape_cast %get3A_466 : vector<16xi32> to vector<16xi32>
      %add3A_468 = vector.broadcast %mul3A_22 : i32 to vector<16xi32>
      %add3A_469 = arith.addi %get3A_467, %add3A_468 : vector<16xi32>
      %swap3A_470 = arith.constant 4 : i32
      %swap3A_471 = arith.index_cast %scan3A_16 : i32 to index
      %swap3A_472 = arith.index_cast %swap3A_470 : i32 to index
      %swap3A_473 = arith.constant 80 : index
      %swap3A_474 = tpu.vector_load %arg6[%swap3A_471, %swap3A_472, %swap3A_473] {strides = array<i32>} : memref<16x8x128xi32, #tpu.memory_space<vmem>>, vector<1x1x16xi32>,
      %swap3A_475 = vector.shape_cast %swap3A_474 : vector<1x1x16xi32> to vector<16xi32>
      %swap3A_476 = vector.shape_cast %add3A_469 : vector<16xi32> to vector<1x1x16xi32>
      tpu.vector_store %arg6[%swap3A_471, %swap3A_472, %swap3A_473], %swap3A_476 {strides = array<i32>} : memref<16x8x128xi32, #tpu.memory_space<vmem>>, vector<1x1x16xi32>,
      %get3A_477 = arith.constant 608 : index
      %get3A_478 = tpu.vector_load %arg5[%get3A_477] {strides = array<i32>} : memref<1024xi32, #tpu.memory_space<vmem>>, vector<16xi32>,
      %get3A_479 = vector.shape_cast %get3A_478 : vector<16xi32> to vector<16xi32>
      %add3A_480 = vector.broadcast %mul3A_22 : i32 to vector<16xi32>
      %add3A_481 = arith.addi %get3A_479, %add3A_480 : vector<16xi32>
      %swap3A_482 = arith.constant 4 : i32
      %swap3A_483 = arith.index_cast %scan3A_16 : i32 to index
      %swap3A_484 = arith.index_cast %swap3A_482 : i32 to index
      %swap3A_485 = arith.constant 96 : index
      %swap3A_486 = tpu.vector_load %arg6[%swap3A_483, %swap3A_484, %swap3A_485] {strides = array<i32>} : memref<16x8x128xi32, #tpu.memory_space<vmem>>, vector<1x1x16xi32>,
      %swap3A_487 = vector.shape_cast %swap3A_486 : vector<1x1x16xi32> to vector<16xi32>
      %swap3A_488 = vector.shape_cast %add3A_481 : vector<16xi32> to vector<1x1x16xi32>
      tpu.vector_store %arg6[%swap3A_483, %swap3A_484, %swap3A_485], %swap3A_488 {strides = array<i32>} : memref<16x8x128xi32, #tpu.memory_space<vmem>>, vector<1x1x16xi32>,
      %get3A_489 = arith.constant 624 : index
      %get3A_490 = tpu.vector_load %arg5[%get3A_489] {strides = array<i32>} : memref<1024xi32, #tpu.memory_space<vmem>>, vector<16xi32>,
      %get3A_491 = vector.shape_cast %get3A_490 : vector<16xi32> to vector<16xi32>
      %add3A_492 = vector.broadcast %mul3A_22 : i32 to vector<16xi32>
      %add3A_493 = arith.addi %get3A_491, %add3A_492 : vector<16xi32>
      %swap3A_494 = arith.constant 4 : i32
      %swap3A_495 = arith.index_cast %scan3A_16 : i32 to index
      %swap3A_496 = arith.index_cast %swap3A_494 : i32 to index
      %swap3A_497 = arith.constant 112 : index
      %swap3A_498 = tpu.vector_load %arg6[%swap3A_495, %swap3A_496, %swap3A_497] {strides = array<i32>} : memref<16x8x128xi32, #tpu.memory_space<vmem>>, vector<1x1x16xi32>,
      %swap3A_499 = vector.shape_cast %swap3A_498 : vector<1x1x16xi32> to vector<16xi32>
      %swap3A_500 = vector.shape_cast %add3A_493 : vector<16xi32> to vector<1x1x16xi32>
      tpu.vector_store %arg6[%swap3A_495, %swap3A_496, %swap3A_497], %swap3A_500 {strides = array<i32>} : memref<16x8x128xi32, #tpu.memory_space<vmem>>, vector<1x1x16xi32>,
      %get3A_501 = arith.constant 640 : index
      %get3A_502 = tpu.vector_load %arg5[%get3A_501] {strides = array<i32>} : memref<1024xi32, #tpu.memory_space<vmem>>, vector<16xi32>,
      %get3A_503 = vector.shape_cast %get3A_502 : vector<16xi32> to vector<16xi32>
      %add3A_504 = vector.broadcast %mul3A_22 : i32 to vector<16xi32>
      %add3A_505 = arith.addi %get3A_503, %add3A_504 : vector<16xi32>
      %swap3A_506 = arith.constant 5 : i32
      %swap3A_507 = arith.index_cast %scan3A_16 : i32 to index
      %swap3A_508 = arith.index_cast %swap3A_506 : i32 to index
      %swap3A_509 = arith.constant 0 : index
      %swap3A_510 = tpu.vector_load %arg6[%swap3A_507, %swap3A_508, %swap3A_509] {strides = array<i32>} : memref<16x8x128xi32, #tpu.memory_space<vmem>>, vector<1x1x16xi32>,
      %swap3A_511 = vector.shape_cast %swap3A_510 : vector<1x1x16xi32> to vector<16xi32>
      %swap3A_512 = vector.shape_cast %add3A_505 : vector<16xi32> to vector<1x1x16xi32>
      tpu.vector_store %arg6[%swap3A_507, %swap3A_508, %swap3A_509], %swap3A_512 {strides = array<i32>} : memref<16x8x128xi32, #tpu.memory_space<vmem>>, vector<1x1x16xi32>,
      %get3A_513 = arith.constant 656 : index
      %get3A_514 = tpu.vector_load %arg5[%get3A_513] {strides = array<i32>} : memref<1024xi32, #tpu.memory_space<vmem>>, vector<16xi32>,
      %get3A_515 = vector.shape_cast %get3A_514 : vector<16xi32> to vector<16xi32>
      %add3A_516 = vector.broadcast %mul3A_22 : i32 to vector<16xi32>
      %add3A_517 = arith.addi %get3A_515, %add3A_516 : vector<16xi32>
      %swap3A_518 = arith.constant 5 : i32
      %swap3A_519 = arith.index_cast %scan3A_16 : i32 to index
      %swap3A_520 = arith.index_cast %swap3A_518 : i32 to index
      %swap3A_521 = arith.constant 16 : index
      %swap3A_522 = tpu.vector_load %arg6[%swap3A_519, %swap3A_520, %swap3A_521] {strides = array<i32>} : memref<16x8x128xi32, #tpu.memory_space<vmem>>, vector<1x1x16xi32>,
      %swap3A_523 = vector.shape_cast %swap3A_522 : vector<1x1x16xi32> to vector<16xi32>
      %swap3A_524 = vector.shape_cast %add3A_517 : vector<16xi32> to vector<1x1x16xi32>
      tpu.vector_store %arg6[%swap3A_519, %swap3A_520, %swap3A_521], %swap3A_524 {strides = array<i32>} : memref<16x8x128xi32, #tpu.memory_space<vmem>>, vector<1x1x16xi32>,
      %get3A_525 = arith.constant 672 : index
      %get3A_526 = tpu.vector_load %arg5[%get3A_525] {strides = array<i32>} : memref<1024xi32, #tpu.memory_space<vmem>>, vector<16xi32>,
      %get3A_527 = vector.shape_cast %get3A_526 : vector<16xi32> to vector<16xi32>
      %add3A_528 = vector.broadcast %mul3A_22 : i32 to vector<16xi32>
      %add3A_529 = arith.addi %get3A_527, %add3A_528 : vector<16xi32>
      %swap3A_530 = arith.constant 5 : i32
      %swap3A_531 = arith.index_cast %scan3A_16 : i32 to index
      %swap3A_532 = arith.index_cast %swap3A_530 : i32 to index
      %swap3A_533 = arith.constant 32 : index
      %swap3A_534 = tpu.vector_load %arg6[%swap3A_531, %swap3A_532, %swap3A_533] {strides = array<i32>} : memref<16x8x128xi32, #tpu.memory_space<vmem>>, vector<1x1x16xi32>,
      %swap3A_535 = vector.shape_cast %swap3A_534 : vector<1x1x16xi32> to vector<16xi32>
      %swap3A_536 = vector.shape_cast %add3A_529 : vector<16xi32> to vector<1x1x16xi32>
      tpu.vector_store %arg6[%swap3A_531, %swap3A_532, %swap3A_533], %swap3A_536 {strides = array<i32>} : memref<16x8x128xi32, #tpu.memory_space<vmem>>, vector<1x1x16xi32>,
      %get3A_537 = arith.constant 688 : index
      %get3A_538 = tpu.vector_load %arg5[%get3A_537] {strides = array<i32>} : memref<1024xi32, #tpu.memory_space<vmem>>, vector<16xi32>,
      %get3A_539 = vector.shape_cast %get3A_538 : vector<16xi32> to vector<16xi32>
      %add3A_540 = vector.broadcast %mul3A_22 : i32 to vector<16xi32>
      %add3A_541 = arith.addi %get3A_539, %add3A_540 : vector<16xi32>
      %swap3A_542 = arith.constant 5 : i32
      %swap3A_543 = arith.index_cast %scan3A_16 : i32 to index
      %swap3A_544 = arith.index_cast %swap3A_542 : i32 to index
      %swap3A_545 = arith.constant 48 : index
      %swap3A_546 = tpu.vector_load %arg6[%swap3A_543, %swap3A_544, %swap3A_545] {strides = array<i32>} : memref<16x8x128xi32, #tpu.memory_space<vmem>>, vector<1x1x16xi32>,
      %swap3A_547 = vector.shape_cast %swap3A_546 : vector<1x1x16xi32> to vector<16xi32>
      %swap3A_548 = vector.shape_cast %add3A_541 : vector<16xi32> to vector<1x1x16xi32>
      tpu.vector_store %arg6[%swap3A_543, %swap3A_544, %swap3A_545], %swap3A_548 {strides = array<i32>} : memref<16x8x128xi32, #tpu.memory_space<vmem>>, vector<1x1x16xi32>,
      %get3A_549 = arith.constant 704 : index
      %get3A_550 = tpu.vector_load %arg5[%get3A_549] {strides = array<i32>} : memref<1024xi32, #tpu.memory_space<vmem>>, vector<16xi32>,
      %get3A_551 = vector.shape_cast %get3A_550 : vector<16xi32> to vector<16xi32>
      %add3A_552 = vector.broadcast %mul3A_22 : i32 to vector<16xi32>
      %add3A_553 = arith.addi %get3A_551, %add3A_552 : vector<16xi32>
      %swap3A_554 = arith.constant 5 : i32
      %swap3A_555 = arith.index_cast %scan3A_16 : i32 to index
      %swap3A_556 = arith.index_cast %swap3A_554 : i32 to index
      %swap3A_557 = arith.constant 64 : index
      %swap3A_558 = tpu.vector_load %arg6[%swap3A_555, %swap3A_556, %swap3A_557] {strides = array<i32>} : memref<16x8x128xi32, #tpu.memory_space<vmem>>, vector<1x1x16xi32>,
      %swap3A_559 = vector.shape_cast %swap3A_558 : vector<1x1x16xi32> to vector<16xi32>
      %swap3A_560 = vector.shape_cast %add3A_553 : vector<16xi32> to vector<1x1x16xi32>
      tpu.vector_store %arg6[%swap3A_555, %swap3A_556, %swap3A_557], %swap3A_560 {strides = array<i32>} : memref<16x8x128xi32, #tpu.memory_space<vmem>>, vector<1x1x16xi32>,
      %get3A_561 = arith.constant 720 : index
      %get3A_562 = tpu.vector_load %arg5[%get3A_561] {strides = array<i32>} : memref<1024xi32, #tpu.memory_space<vmem>>, vector<16xi32>,
      %get3A_563 = vector.shape_cast %get3A_562 : vector<16xi32> to vector<16xi32>
      %add3A_564 = vector.broadcast %mul3A_22 : i32 to vector<16xi32>
      %add3A_565 = arith.addi %get3A_563, %add3A_564 : vector<16xi32>
      %swap3A_566 = arith.constant 5 : i32
      %swap3A_567 = arith.index_cast %scan3A_16 : i32 to index
      %swap3A_568 = arith.index_cast %swap3A_566 : i32 to index
      %swap3A_569 = arith.constant 80 : index
      %swap3A_570 = tpu.vector_load %arg6[%swap3A_567, %swap3A_568, %swap3A_569] {strides = array<i32>} : memref<16x8x128xi32, #tpu.memory_space<vmem>>, vector<1x1x16xi32>,
      %swap3A_571 = vector.shape_cast %swap3A_570 : vector<1x1x16xi32> to vector<16xi32>
      %swap3A_572 = vector.shape_cast %add3A_565 : vector<16xi32> to vector<1x1x16xi32>
      tpu.vector_store %arg6[%swap3A_567, %swap3A_568, %swap3A_569], %swap3A_572 {strides = array<i32>} : memref<16x8x128xi32, #tpu.memory_space<vmem>>, vector<1x1x16xi32>,
      %get3A_573 = arith.constant 736 : index
      %get3A_574 = tpu.vector_load %arg5[%get3A_573] {strides = array<i32>} : memref<1024xi32, #tpu.memory_space<vmem>>, vector<16xi32>,
      %get3A_575 = vector.shape_cast %get3A_574 : vector<16xi32> to vector<16xi32>
      %add3A_576 = vector.broadcast %mul3A_22 : i32 to vector<16xi32>
      %add3A_577 = arith.addi %get3A_575, %add3A_576 : vector<16xi32>
      %swap3A_578 = arith.constant 5 : i32
      %swap3A_579 = arith.index_cast %scan3A_16 : i32 to index
      %swap3A_580 = arith.index_cast %swap3A_578 : i32 to index
      %swap3A_581 = arith.constant 96 : index
      %swap3A_582 = tpu.vector_load %arg6[%swap3A_579, %swap3A_580, %swap3A_581] {strides = array<i32>} : memref<16x8x128xi32, #tpu.memory_space<vmem>>, vector<1x1x16xi32>,
      %swap3A_583 = vector.shape_cast %swap3A_582 : vector<1x1x16xi32> to vector<16xi32>
      %swap3A_584 = vector.shape_cast %add3A_577 : vector<16xi32> to vector<1x1x16xi32>
      tpu.vector_store %arg6[%swap3A_579, %swap3A_580, %swap3A_581], %swap3A_584 {strides = array<i32>} : memref<16x8x128xi32, #tpu.memory_space<vmem>>, vector<1x1x16xi32>,
      %get3A_585 = arith.constant 752 : index
      %get3A_586 = tpu.vector_load %arg5[%get3A_585] {strides = array<i32>} : memref<1024xi32, #tpu.memory_space<vmem>>, vector<16xi32>,
      %get3A_587 = vector.shape_cast %get3A_586 : vector<16xi32> to vector<16xi32>
      %add3A_588 = vector.broadcast %mul3A_22 : i32 to vector<16xi32>
      %add3A_589 = arith.addi %get3A_587, %add3A_588 : vector<16xi32>
      %swap3A_590 = arith.constant 5 : i32
      %swap3A_591 = arith.index_cast %scan3A_16 : i32 to index
      %swap3A_592 = arith.index_cast %swap3A_590 : i32 to index
      %swap3A_593 = arith.constant 112 : index
      %swap3A_594 = tpu.vector_load %arg6[%swap3A_591, %swap3A_592, %swap3A_593] {strides = array<i32>} : memref<16x8x128xi32, #tpu.memory_space<vmem>>, vector<1x1x16xi32>,
      %swap3A_595 = vector.shape_cast %swap3A_594 : vector<1x1x16xi32> to vector<16xi32>
      %swap3A_596 = vector.shape_cast %add3A_589 : vector<16xi32> to vector<1x1x16xi32>
      tpu.vector_store %arg6[%swap3A_591, %swap3A_592, %swap3A_593], %swap3A_596 {strides = array<i32>} : memref<16x8x128xi32, #tpu.memory_space<vmem>>, vector<1x1x16xi32>,
      %get3A_597 = arith.constant 768 : index
      %get3A_598 = tpu.vector_load %arg5[%get3A_597] {strides = array<i32>} : memref<1024xi32, #tpu.memory_space<vmem>>, vector<16xi32>,
      %get3A_599 = vector.shape_cast %get3A_598 : vector<16xi32> to vector<16xi32>
      %add3A_600 = vector.broadcast %mul3A_22 : i32 to vector<16xi32>
      %add3A_601 = arith.addi %get3A_599, %add3A_600 : vector<16xi32>
      %swap3A_602 = arith.constant 6 : i32
      %swap3A_603 = arith.index_cast %scan3A_16 : i32 to index
      %swap3A_604 = arith.index_cast %swap3A_602 : i32 to index
      %swap3A_605 = arith.constant 0 : index
      %swap3A_606 = tpu.vector_load %arg6[%swap3A_603, %swap3A_604, %swap3A_605] {strides = array<i32>} : memref<16x8x128xi32, #tpu.memory_space<vmem>>, vector<1x1x16xi32>,
      %swap3A_607 = vector.shape_cast %swap3A_606 : vector<1x1x16xi32> to vector<16xi32>
      %swap3A_608 = vector.shape_cast %add3A_601 : vector<16xi32> to vector<1x1x16xi32>
      tpu.vector_store %arg6[%swap3A_603, %swap3A_604, %swap3A_605], %swap3A_608 {strides = array<i32>} : memref<16x8x128xi32, #tpu.memory_space<vmem>>, vector<1x1x16xi32>,
      %get3A_609 = arith.constant 784 : index
      %get3A_610 = tpu.vector_load %arg5[%get3A_609] {strides = array<i32>} : memref<1024xi32, #tpu.memory_space<vmem>>, vector<16xi32>,
      %get3A_611 = vector.shape_cast %get3A_610 : vector<16xi32> to vector<16xi32>
      %add3A_612 = vector.broadcast %mul3A_22 : i32 to vector<16xi32>
      %add3A_613 = arith.addi %get3A_611, %add3A_612 : vector<16xi32>
      %swap3A_614 = arith.constant 6 : i32
      %swap3A_615 = arith.index_cast %scan3A_16 : i32 to index
      %swap3A_616 = arith.index_cast %swap3A_614 : i32 to index
      %swap3A_617 = arith.constant 16 : index
      %swap3A_618 = tpu.vector_load %arg6[%swap3A_615, %swap3A_616, %swap3A_617] {strides = array<i32>} : memref<16x8x128xi32, #tpu.memory_space<vmem>>, vector<1x1x16xi32>,
      %swap3A_619 = vector.shape_cast %swap3A_618 : vector<1x1x16xi32> to vector<16xi32>
      %swap3A_620 = vector.shape_cast %add3A_613 : vector<16xi32> to vector<1x1x16xi32>
      tpu.vector_store %arg6[%swap3A_615, %swap3A_616, %swap3A_617], %swap3A_620 {strides = array<i32>} : memref<16x8x128xi32, #tpu.memory_space<vmem>>, vector<1x1x16xi32>,
      %get3A_621 = arith.constant 800 : index
      %get3A_622 = tpu.vector_load %arg5[%get3A_621] {strides = array<i32>} : memref<1024xi32, #tpu.memory_space<vmem>>, vector<16xi32>,
      %get3A_623 = vector.shape_cast %get3A_622 : vector<16xi32> to vector<16xi32>
      %add3A_624 = vector.broadcast %mul3A_22 : i32 to vector<16xi32>
      %add3A_625 = arith.addi %get3A_623, %add3A_624 : vector<16xi32>
      %swap3A_626 = arith.constant 6 : i32
      %swap3A_627 = arith.index_cast %scan3A_16 : i32 to index
      %swap3A_628 = arith.index_cast %swap3A_626 : i32 to index
      %swap3A_629 = arith.constant 32 : index
      %swap3A_630 = tpu.vector_load %arg6[%swap3A_627, %swap3A_628, %swap3A_629] {strides = array<i32>} : memref<16x8x128xi32, #tpu.memory_space<vmem>>, vector<1x1x16xi32>,
      %swap3A_631 = vector.shape_cast %swap3A_630 : vector<1x1x16xi32> to vector<16xi32>
      %swap3A_632 = vector.shape_cast %add3A_625 : vector<16xi32> to vector<1x1x16xi32>
      tpu.vector_store %arg6[%swap3A_627, %swap3A_628, %swap3A_629], %swap3A_632 {strides = array<i32>} : memref<16x8x128xi32, #tpu.memory_space<vmem>>, vector<1x1x16xi32>,
      %get3A_633 = arith.constant 816 : index
      %get3A_634 = tpu.vector_load %arg5[%get3A_633] {strides = array<i32>} : memref<1024xi32, #tpu.memory_space<vmem>>, vector<16xi32>,
      %get3A_635 = vector.shape_cast %get3A_634 : vector<16xi32> to vector<16xi32>
      %add3A_636 = vector.broadcast %mul3A_22 : i32 to vector<16xi32>
      %add3A_637 = arith.addi %get3A_635, %add3A_636 : vector<16xi32>
      %swap3A_638 = arith.constant 6 : i32
      %swap3A_639 = arith.index_cast %scan3A_16 : i32 to index
      %swap3A_640 = arith.index_cast %swap3A_638 : i32 to index
      %swap3A_641 = arith.constant 48 : index
      %swap3A_642 = tpu.vector_load %arg6[%swap3A_639, %swap3A_640, %swap3A_641] {strides = array<i32>} : memref<16x8x128xi32, #tpu.memory_space<vmem>>, vector<1x1x16xi32>,
      %swap3A_643 = vector.shape_cast %swap3A_642 : vector<1x1x16xi32> to vector<16xi32>
      %swap3A_644 = vector.shape_cast %add3A_637 : vector<16xi32> to vector<1x1x16xi32>
      tpu.vector_store %arg6[%swap3A_639, %swap3A_640, %swap3A_641], %swap3A_644 {strides = array<i32>} : memref<16x8x128xi32, #tpu.memory_space<vmem>>, vector<1x1x16xi32>,
      %get3A_645 = arith.constant 832 : index
      %get3A_646 = tpu.vector_load %arg5[%get3A_645] {strides = array<i32>} : memref<1024xi32, #tpu.memory_space<vmem>>, vector<16xi32>,
      %get3A_647 = vector.shape_cast %get3A_646 : vector<16xi32> to vector<16xi32>
      %add3A_648 = vector.broadcast %mul3A_22 : i32 to vector<16xi32>
      %add3A_649 = arith.addi %get3A_647, %add3A_648 : vector<16xi32>
      %swap3A_650 = arith.constant 6 : i32
      %swap3A_651 = arith.index_cast %scan3A_16 : i32 to index
      %swap3A_652 = arith.index_cast %swap3A_650 : i32 to index
      %swap3A_653 = arith.constant 64 : index
      %swap3A_654 = tpu.vector_load %arg6[%swap3A_651, %swap3A_652, %swap3A_653] {strides = array<i32>} : memref<16x8x128xi32, #tpu.memory_space<vmem>>, vector<1x1x16xi32>,
      %swap3A_655 = vector.shape_cast %swap3A_654 : vector<1x1x16xi32> to vector<16xi32>
      %swap3A_656 = vector.shape_cast %add3A_649 : vector<16xi32> to vector<1x1x16xi32>
      tpu.vector_store %arg6[%swap3A_651, %swap3A_652, %swap3A_653], %swap3A_656 {strides = array<i32>} : memref<16x8x128xi32, #tpu.memory_space<vmem>>, vector<1x1x16xi32>,
      %get3A_657 = arith.constant 848 : index
      %get3A_658 = tpu.vector_load %arg5[%get3A_657] {strides = array<i32>} : memref<1024xi32, #tpu.memory_space<vmem>>, vector<16xi32>,
      %get3A_659 = vector.shape_cast %get3A_658 : vector<16xi32> to vector<16xi32>
      %add3A_660 = vector.broadcast %mul3A_22 : i32 to vector<16xi32>
      %add3A_661 = arith.addi %get3A_659, %add3A_660 : vector<16xi32>
      %swap3A_662 = arith.constant 6 : i32
      %swap3A_663 = arith.index_cast %scan3A_16 : i32 to index
      %swap3A_664 = arith.index_cast %swap3A_662 : i32 to index
      %swap3A_665 = arith.constant 80 : index
      %swap3A_666 = tpu.vector_load %arg6[%swap3A_663, %swap3A_664, %swap3A_665] {strides = array<i32>} : memref<16x8x128xi32, #tpu.memory_space<vmem>>, vector<1x1x16xi32>,
      %swap3A_667 = vector.shape_cast %swap3A_666 : vector<1x1x16xi32> to vector<16xi32>
      %swap3A_668 = vector.shape_cast %add3A_661 : vector<16xi32> to vector<1x1x16xi32>
      tpu.vector_store %arg6[%swap3A_663, %swap3A_664, %swap3A_665], %swap3A_668 {strides = array<i32>} : memref<16x8x128xi32, #tpu.memory_space<vmem>>, vector<1x1x16xi32>,
      %get3A_669 = arith.constant 864 : index
      %get3A_670 = tpu.vector_load %arg5[%get3A_669] {strides = array<i32>} : memref<1024xi32, #tpu.memory_space<vmem>>, vector<16xi32>,
      %get3A_671 = vector.shape_cast %get3A_670 : vector<16xi32> to vector<16xi32>
      %add3A_672 = vector.broadcast %mul3A_22 : i32 to vector<16xi32>
      %add3A_673 = arith.addi %get3A_671, %add3A_672 : vector<16xi32>
      %swap3A_674 = arith.constant 6 : i32
      %swap3A_675 = arith.index_cast %scan3A_16 : i32 to index
      %swap3A_676 = arith.index_cast %swap3A_674 : i32 to index
      %swap3A_677 = arith.constant 96 : index
      %swap3A_678 = tpu.vector_load %arg6[%swap3A_675, %swap3A_676, %swap3A_677] {strides = array<i32>} : memref<16x8x128xi32, #tpu.memory_space<vmem>>, vector<1x1x16xi32>,
      %swap3A_679 = vector.shape_cast %swap3A_678 : vector<1x1x16xi32> to vector<16xi32>
      %swap3A_680 = vector.shape_cast %add3A_673 : vector<16xi32> to vector<1x1x16xi32>
      tpu.vector_store %arg6[%swap3A_675, %swap3A_676, %swap3A_677], %swap3A_680 {strides = array<i32>} : memref<16x8x128xi32, #tpu.memory_space<vmem>>, vector<1x1x16xi32>,
      %get3A_681 = arith.constant 880 : index
      %get3A_682 = tpu.vector_load %arg5[%get3A_681] {strides = array<i32>} : memref<1024xi32, #tpu.memory_space<vmem>>, vector<16xi32>,
      %get3A_683 = vector.shape_cast %get3A_682 : vector<16xi32> to vector<16xi32>
      %add3A_684 = vector.broadcast %mul3A_22 : i32 to vector<16xi32>
      %add3A_685 = arith.addi %get3A_683, %add3A_684 : vector<16xi32>
      %swap3A_686 = arith.constant 6 : i32
      %swap3A_687 = arith.index_cast %scan3A_16 : i32 to index
      %swap3A_688 = arith.index_cast %swap3A_686 : i32 to index
      %swap3A_689 = arith.constant 112 : index
      %swap3A_690 = tpu.vector_load %arg6[%swap3A_687, %swap3A_688, %swap3A_689] {strides = array<i32>} : memref<16x8x128xi32, #tpu.memory_space<vmem>>, vector<1x1x16xi32>,
      %swap3A_691 = vector.shape_cast %swap3A_690 : vector<1x1x16xi32> to vector<16xi32>
      %swap3A_692 = vector.shape_cast %add3A_685 : vector<16xi32> to vector<1x1x16xi32>
      tpu.vector_store %arg6[%swap3A_687, %swap3A_688, %swap3A_689], %swap3A_692 {strides = array<i32>} : memref<16x8x128xi32, #tpu.memory_space<vmem>>, vector<1x1x16xi32>,
      %get3A_693 = arith.constant 896 : index
      %get3A_694 = tpu.vector_load %arg5[%get3A_693] {strides = array<i32>} : memref<1024xi32, #tpu.memory_space<vmem>>, vector<16xi32>,
      %get3A_695 = vector.shape_cast %get3A_694 : vector<16xi32> to vector<16xi32>
      %add3A_696 = vector.broadcast %mul3A_22 : i32 to vector<16xi32>
      %add3A_697 = arith.addi %get3A_695, %add3A_696 : vector<16xi32>
      %swap3A_698 = arith.constant 7 : i32
      %swap3A_699 = arith.index_cast %scan3A_16 : i32 to index
      %swap3A_700 = arith.index_cast %swap3A_698 : i32 to index
      %swap3A_701 = arith.constant 0 : index
      %swap3A_702 = tpu.vector_load %arg6[%swap3A_699, %swap3A_700, %swap3A_701] {strides = array<i32>} : memref<16x8x128xi32, #tpu.memory_space<vmem>>, vector<1x1x16xi32>,
      %swap3A_703 = vector.shape_cast %swap3A_702 : vector<1x1x16xi32> to vector<16xi32>
      %swap3A_704 = vector.shape_cast %add3A_697 : vector<16xi32> to vector<1x1x16xi32>
      tpu.vector_store %arg6[%swap3A_699, %swap3A_700, %swap3A_701], %swap3A_704 {strides = array<i32>} : memref<16x8x128xi32, #tpu.memory_space<vmem>>, vector<1x1x16xi32>,
      %get3A_705 = arith.constant 912 : index
      %get3A_706 = tpu.vector_load %arg5[%get3A_705] {strides = array<i32>} : memref<1024xi32, #tpu.memory_space<vmem>>, vector<16xi32>,
      %get3A_707 = vector.shape_cast %get3A_706 : vector<16xi32> to vector<16xi32>
      %add3A_708 = vector.broadcast %mul3A_22 : i32 to vector<16xi32>
      %add3A_709 = arith.addi %get3A_707, %add3A_708 : vector<16xi32>
      %swap3A_710 = arith.constant 7 : i32
      %swap3A_711 = arith.index_cast %scan3A_16 : i32 to index
      %swap3A_712 = arith.index_cast %swap3A_710 : i32 to index
      %swap3A_713 = arith.constant 16 : index
      %swap3A_714 = tpu.vector_load %arg6[%swap3A_711, %swap3A_712, %swap3A_713] {strides = array<i32>} : memref<16x8x128xi32, #tpu.memory_space<vmem>>, vector<1x1x16xi32>,
      %swap3A_715 = vector.shape_cast %swap3A_714 : vector<1x1x16xi32> to vector<16xi32>
      %swap3A_716 = vector.shape_cast %add3A_709 : vector<16xi32> to vector<1x1x16xi32>
      tpu.vector_store %arg6[%swap3A_711, %swap3A_712, %swap3A_713], %swap3A_716 {strides = array<i32>} : memref<16x8x128xi32, #tpu.memory_space<vmem>>, vector<1x1x16xi32>,
      %get3A_717 = arith.constant 928 : index
      %get3A_718 = tpu.vector_load %arg5[%get3A_717] {strides = array<i32>} : memref<1024xi32, #tpu.memory_space<vmem>>, vector<16xi32>,
      %get3A_719 = vector.shape_cast %get3A_718 : vector<16xi32> to vector<16xi32>
      %add3A_720 = vector.broadcast %mul3A_22 : i32 to vector<16xi32>
      %add3A_721 = arith.addi %get3A_719, %add3A_720 : vector<16xi32>
      %swap3A_722 = arith.constant 7 : i32
      %swap3A_723 = arith.index_cast %scan3A_16 : i32 to index
      %swap3A_724 = arith.index_cast %swap3A_722 : i32 to index
      %swap3A_725 = arith.constant 32 : index
      %swap3A_726 = tpu.vector_load %arg6[%swap3A_723, %swap3A_724, %swap3A_725] {strides = array<i32>} : memref<16x8x128xi32, #tpu.memory_space<vmem>>, vector<1x1x16xi32>,
      %swap3A_727 = vector.shape_cast %swap3A_726 : vector<1x1x16xi32> to vector<16xi32>
      %swap3A_728 = vector.shape_cast %add3A_721 : vector<16xi32> to vector<1x1x16xi32>
      tpu.vector_store %arg6[%swap3A_723, %swap3A_724, %swap3A_725], %swap3A_728 {strides = array<i32>} : memref<16x8x128xi32, #tpu.memory_space<vmem>>, vector<1x1x16xi32>,
      %get3A_729 = arith.constant 944 : index
      %get3A_730 = tpu.vector_load %arg5[%get3A_729] {strides = array<i32>} : memref<1024xi32, #tpu.memory_space<vmem>>, vector<16xi32>,
      %get3A_731 = vector.shape_cast %get3A_730 : vector<16xi32> to vector<16xi32>
      %add3A_732 = vector.broadcast %mul3A_22 : i32 to vector<16xi32>
      %add3A_733 = arith.addi %get3A_731, %add3A_732 : vector<16xi32>
      %swap3A_734 = arith.constant 7 : i32
      %swap3A_735 = arith.index_cast %scan3A_16 : i32 to index
      %swap3A_736 = arith.index_cast %swap3A_734 : i32 to index
      %swap3A_737 = arith.constant 48 : index
      %swap3A_738 = tpu.vector_load %arg6[%swap3A_735, %swap3A_736, %swap3A_737] {strides = array<i32>} : memref<16x8x128xi32, #tpu.memory_space<vmem>>, vector<1x1x16xi32>,
      %swap3A_739 = vector.shape_cast %swap3A_738 : vector<1x1x16xi32> to vector<16xi32>
      %swap3A_740 = vector.shape_cast %add3A_733 : vector<16xi32> to vector<1x1x16xi32>
      tpu.vector_store %arg6[%swap3A_735, %swap3A_736, %swap3A_737], %swap3A_740 {strides = array<i32>} : memref<16x8x128xi32, #tpu.memory_space<vmem>>, vector<1x1x16xi32>,
      %get3A_741 = arith.constant 960 : index
      %get3A_742 = tpu.vector_load %arg5[%get3A_741] {strides = array<i32>} : memref<1024xi32, #tpu.memory_space<vmem>>, vector<16xi32>,
      %get3A_743 = vector.shape_cast %get3A_742 : vector<16xi32> to vector<16xi32>
      %add3A_744 = vector.broadcast %mul3A_22 : i32 to vector<16xi32>
      %add3A_745 = arith.addi %get3A_743, %add3A_744 : vector<16xi32>
      %swap3A_746 = arith.constant 7 : i32
      %swap3A_747 = arith.index_cast %scan3A_16 : i32 to index
      %swap3A_748 = arith.index_cast %swap3A_746 : i32 to index
      %swap3A_749 = arith.constant 64 : index
      %swap3A_750 = tpu.vector_load %arg6[%swap3A_747, %swap3A_748, %swap3A_749] {strides = array<i32>} : memref<16x8x128xi32, #tpu.memory_space<vmem>>, vector<1x1x16xi32>,
      %swap3A_751 = vector.shape_cast %swap3A_750 : vector<1x1x16xi32> to vector<16xi32>
      %swap3A_752 = vector.shape_cast %add3A_745 : vector<16xi32> to vector<1x1x16xi32>
      tpu.vector_store %arg6[%swap3A_747, %swap3A_748, %swap3A_749], %swap3A_752 {strides = array<i32>} : memref<16x8x128xi32, #tpu.memory_space<vmem>>, vector<1x1x16xi32>,
      %get3A_753 = arith.constant 976 : index
      %get3A_754 = tpu.vector_load %arg5[%get3A_753] {strides = array<i32>} : memref<1024xi32, #tpu.memory_space<vmem>>, vector<16xi32>,
      %get3A_755 = vector.shape_cast %get3A_754 : vector<16xi32> to vector<16xi32>
      %add3A_756 = vector.broadcast %mul3A_22 : i32 to vector<16xi32>
      %add3A_757 = arith.addi %get3A_755, %add3A_756 : vector<16xi32>
      %swap3A_758 = arith.constant 7 : i32
      %swap3A_759 = arith.index_cast %scan3A_16 : i32 to index
      %swap3A_760 = arith.index_cast %swap3A_758 : i32 to index
      %swap3A_761 = arith.constant 80 : index
      %swap3A_762 = tpu.vector_load %arg6[%swap3A_759, %swap3A_760, %swap3A_761] {strides = array<i32>} : memref<16x8x128xi32, #tpu.memory_space<vmem>>, vector<1x1x16xi32>,
      %swap3A_763 = vector.shape_cast %swap3A_762 : vector<1x1x16xi32> to vector<16xi32>
      %swap3A_764 = vector.shape_cast %add3A_757 : vector<16xi32> to vector<1x1x16xi32>
      tpu.vector_store %arg6[%swap3A_759, %swap3A_760, %swap3A_761], %swap3A_764 {strides = array<i32>} : memref<16x8x128xi32, #tpu.memory_space<vmem>>, vector<1x1x16xi32>,
      %get3A_765 = arith.constant 992 : index
      %get3A_766 = tpu.vector_load %arg5[%get3A_765] {strides = array<i32>} : memref<1024xi32, #tpu.memory_space<vmem>>, vector<16xi32>,
      %get3A_767 = vector.shape_cast %get3A_766 : vector<16xi32> to vector<16xi32>
      %add3A_768 = vector.broadcast %mul3A_22 : i32 to vector<16xi32>
      %add3A_769 = arith.addi %get3A_767, %add3A_768 : vector<16xi32>
      %swap3A_770 = arith.constant 7 : i32
      %swap3A_771 = arith.index_cast %scan3A_16 : i32 to index
      %swap3A_772 = arith.index_cast %swap3A_770 : i32 to index
      %swap3A_773 = arith.constant 96 : index
      %swap3A_774 = tpu.vector_load %arg6[%swap3A_771, %swap3A_772, %swap3A_773] {strides = array<i32>} : memref<16x8x128xi32, #tpu.memory_space<vmem>>, vector<1x1x16xi32>,
      %swap3A_775 = vector.shape_cast %swap3A_774 : vector<1x1x16xi32> to vector<16xi32>
      %swap3A_776 = vector.shape_cast %add3A_769 : vector<16xi32> to vector<1x1x16xi32>
      tpu.vector_store %arg6[%swap3A_771, %swap3A_772, %swap3A_773], %swap3A_776 {strides = array<i32>} : memref<16x8x128xi32, #tpu.memory_space<vmem>>, vector<1x1x16xi32>,
      %get3A_777 = arith.constant 1008 : index
      %get3A_778 = tpu.vector_load %arg5[%get3A_777] {strides = array<i32>} : memref<1024xi32, #tpu.memory_space<vmem>>, vector<16xi32>,
      %get3A_779 = vector.shape_cast %get3A_778 : vector<16xi32> to vector<16xi32>
      %add3A_780 = vector.broadcast %mul3A_22 : i32 to vector<16xi32>
      %add3A_781 = arith.addi %get3A_779, %add3A_780 : vector<16xi32>
      %swap3A_782 = arith.constant 7 : i32
      %swap3A_783 = arith.index_cast %scan3A_16 : i32 to index
      %swap3A_784 = arith.index_cast %swap3A_782 : i32 to index
      %swap3A_785 = arith.constant 112 : index
      %swap3A_786 = tpu.vector_load %arg6[%swap3A_783, %swap3A_784, %swap3A_785] {strides = array<i32>} : memref<16x8x128xi32, #tpu.memory_space<vmem>>, vector<1x1x16xi32>,
      %swap3A_787 = vector.shape_cast %swap3A_786 : vector<1x1x16xi32> to vector<16xi32>
      %swap3A_788 = vector.shape_cast %add3A_781 : vector<16xi32> to vector<1x1x16xi32>
      tpu.vector_store %arg6[%swap3A_783, %swap3A_784, %swap3A_785], %swap3A_788 {strides = array<i32>} : memref<16x8x128xi32, #tpu.memory_space<vmem>>, vector<1x1x16xi32>,
      %mul3A_789 = arith.constant 8 : i32
      %mul3A_790 = arith.muli %scan3A_16, %mul3A_789 : i32
      %add3A_791 = arith.constant 0 : i32
      %add3A_792 = arith.addi %mul3A_790, %add3A_791 : i32
      %mul3A_793 = arith.constant 2 : i32
      %mul3A_794 = arith.muli %add3A_792, %mul3A_793 : i32
      %mul3A_795 = arith.constant 128 : i32
      %mul3A_796 = arith.muli %mul3A_794, %mul3A_795 : i32
      %dma_start3A = arith.constant 0 : i32
      %dma_start3A_797 = tpu.memref_slice %arg7[%mul3A_796] : memref<32768xf32, #tpu.memory_space<vmem>> -> memref<128xf32, #tpu.memory_space<vmem>>
      %dma_start3A_798 = arith.constant 0 : i32
      %dma_start3A_799 = tpu.memref_slice %arg6[%scan3A_16, %dma_start3A, %dma_start3A_798] : memref<16x8x128xi32, #tpu.memory_space<vmem>> -> memref<1x1x128xi32, #tpu.memory_space<vmem>>
      %dma_start3A_800 = tpu.memref_squeeze %dma_start3A_799 : memref<1x1x128xi32, #tpu.memory_space<vmem>> -> memref<128xi32, #tpu.memory_space<vmem>>
      %dma_start3A_801 = arith.constant 0 : i32
      %dma_start3A_802 = tpu.memref_slice %arg2[%dma_start3A_801] : memref<51200000xf32, #tpu.memory_space<hbm>> -> memref<51200000xf32, #tpu.memory_space<hbm>>
      tpu.enqueue_indirect_dma source(%dma_start3A_802 : memref<51200000xf32, #tpu.memory_space<hbm>>) target(%dma_start3A_797 : memref<128xf32, #tpu.memory_space<vmem>>) offsets(%dma_start3A_800 : memref<128xi32, #tpu.memory_space<vmem>>) semaphore(%arg8 : memref<!tpu.dma_semaphore, #tpu.memory_space<semaphore_mem>>)
      %mul3A_803 = arith.constant 8 : i32
      %mul3A_804 = arith.muli %scan3A_16, %mul3A_803 : i32
      %add3A_805 = arith.constant 1 : i32
      %add3A_806 = arith.addi %mul3A_804, %add3A_805 : i32
      %mul3A_807 = arith.constant 2 : i32
      %mul3A_808 = arith.muli %add3A_806, %mul3A_807 : i32
      %mul3A_809 = arith.constant 128 : i32
      %mul3A_810 = arith.muli %mul3A_808, %mul3A_809 : i32
      %dma_start3A_811 = arith.constant 1 : i32
      %dma_start3A_812 = tpu.memref_slice %arg7[%mul3A_810] : memref<32768xf32, #tpu.memory_space<vmem>> -> memref<128xf32, #tpu.memory_space<vmem>>
      %dma_start3A_813 = arith.constant 0 : i32
      %dma_start3A_814 = tpu.memref_slice %arg6[%scan3A_16, %dma_start3A_811, %dma_start3A_813] : memref<16x8x128xi32, #tpu.memory_space<vmem>> -> memref<1x1x128xi32, #tpu.memory_space<vmem>>
      %dma_start3A_815 = tpu.memref_squeeze %dma_start3A_814 : memref<1x1x128xi32, #tpu.memory_space<vmem>> -> memref<128xi32, #tpu.memory_space<vmem>>
      %dma_start3A_816 = arith.constant 0 : i32
      %dma_start3A_817 = tpu.memref_slice %arg2[%dma_start3A_816] : memref<51200000xf32, #tpu.memory_space<hbm>> -> memref<51200000xf32, #tpu.memory_space<hbm>>
      tpu.enqueue_indirect_dma source(%dma_start3A_817 : memref<51200000xf32, #tpu.memory_space<hbm>>) target(%dma_start3A_812 : memref<128xf32, #tpu.memory_space<vmem>>) offsets(%dma_start3A_815 : memref<128xi32, #tpu.memory_space<vmem>>) semaphore(%arg8 : memref<!tpu.dma_semaphore, #tpu.memory_space<semaphore_mem>>)
      %mul3A_818 = arith.constant 8 : i32
      %mul3A_819 = arith.muli %scan3A_16, %mul3A_818 : i32
      %add3A_820 = arith.constant 2 : i32
      %add3A_821 = arith.addi %mul3A_819, %add3A_820 : i32
      %mul3A_822 = arith.constant 2 : i32
      %mul3A_823 = arith.muli %add3A_821, %mul3A_822 : i32
      %mul3A_824 = arith.constant 128 : i32
      %mul3A_825 = arith.muli %mul3A_823, %mul3A_824 : i32
      %dma_start3A_826 = arith.constant 2 : i32
      %dma_start3A_827 = tpu.memref_slice %arg7[%mul3A_825] : memref<32768xf32, #tpu.memory_space<vmem>> -> memref<128xf32, #tpu.memory_space<vmem>>
      %dma_start3A_828 = arith.constant 0 : i32
      %dma_start3A_829 = tpu.memref_slice %arg6[%scan3A_16, %dma_start3A_826, %dma_start3A_828] : memref<16x8x128xi32, #tpu.memory_space<vmem>> -> memref<1x1x128xi32, #tpu.memory_space<vmem>>
      %dma_start3A_830 = tpu.memref_squeeze %dma_start3A_829 : memref<1x1x128xi32, #tpu.memory_space<vmem>> -> memref<128xi32, #tpu.memory_space<vmem>>
      %dma_start3A_831 = arith.constant 0 : i32
      %dma_start3A_832 = tpu.memref_slice %arg2[%dma_start3A_831] : memref<51200000xf32, #tpu.memory_space<hbm>> -> memref<51200000xf32, #tpu.memory_space<hbm>>
      tpu.enqueue_indirect_dma source(%dma_start3A_832 : memref<51200000xf32, #tpu.memory_space<hbm>>) target(%dma_start3A_827 : memref<128xf32, #tpu.memory_space<vmem>>) offsets(%dma_start3A_830 : memref<128xi32, #tpu.memory_space<vmem>>) semaphore(%arg8 : memref<!tpu.dma_semaphore, #tpu.memory_space<semaphore_mem>>)
      %mul3A_833 = arith.constant 8 : i32
      %mul3A_834 = arith.muli %scan3A_16, %mul3A_833 : i32
      %add3A_835 = arith.constant 3 : i32
      %add3A_836 = arith.addi %mul3A_834, %add3A_835 : i32
      %mul3A_837 = arith.constant 2 : i32
      %mul3A_838 = arith.muli %add3A_836, %mul3A_837 : i32
      %mul3A_839 = arith.constant 128 : i32
      %mul3A_840 = arith.muli %mul3A_838, %mul3A_839 : i32
      %dma_start3A_841 = arith.constant 3 : i32
      %dma_start3A_842 = tpu.memref_slice %arg7[%mul3A_840] : memref<32768xf32, #tpu.memory_space<vmem>> -> memref<128xf32, #tpu.memory_space<vmem>>
      %dma_start3A_843 = arith.constant 0 : i32
      %dma_start3A_844 = tpu.memref_slice %arg6[%scan3A_16, %dma_start3A_841, %dma_start3A_843] : memref<16x8x128xi32, #tpu.memory_space<vmem>> -> memref<1x1x128xi32, #tpu.memory_space<vmem>>
      %dma_start3A_845 = tpu.memref_squeeze %dma_start3A_844 : memref<1x1x128xi32, #tpu.memory_space<vmem>> -> memref<128xi32, #tpu.memory_space<vmem>>
      %dma_start3A_846 = arith.constant 0 : i32
      %dma_start3A_847 = tpu.memref_slice %arg2[%dma_start3A_846] : memref<51200000xf32, #tpu.memory_space<hbm>> -> memref<51200000xf32, #tpu.memory_space<hbm>>
      tpu.enqueue_indirect_dma source(%dma_start3A_847 : memref<51200000xf32, #tpu.memory_space<hbm>>) target(%dma_start3A_842 : memref<128xf32, #tpu.memory_space<vmem>>) offsets(%dma_start3A_845 : memref<128xi32, #tpu.memory_space<vmem>>) semaphore(%arg8 : memref<!tpu.dma_semaphore, #tpu.memory_space<semaphore_mem>>)
      %mul3A_848 = arith.constant 8 : i32
      %mul3A_849 = arith.muli %scan3A_16, %mul3A_848 : i32
      %add3A_850 = arith.constant 4 : i32
      %add3A_851 = arith.addi %mul3A_849, %add3A_850 : i32
      %mul3A_852 = arith.constant 2 : i32
      %mul3A_853 = arith.muli %add3A_851, %mul3A_852 : i32
      %mul3A_854 = arith.constant 128 : i32
      %mul3A_855 = arith.muli %mul3A_853, %mul3A_854 : i32
      %dma_start3A_856 = arith.constant 4 : i32
      %dma_start3A_857 = tpu.memref_slice %arg7[%mul3A_855] : memref<32768xf32, #tpu.memory_space<vmem>> -> memref<128xf32, #tpu.memory_space<vmem>>
      %dma_start3A_858 = arith.constant 0 : i32
      %dma_start3A_859 = tpu.memref_slice %arg6[%scan3A_16, %dma_start3A_856, %dma_start3A_858] : memref<16x8x128xi32, #tpu.memory_space<vmem>> -> memref<1x1x128xi32, #tpu.memory_space<vmem>>
      %dma_start3A_860 = tpu.memref_squeeze %dma_start3A_859 : memref<1x1x128xi32, #tpu.memory_space<vmem>> -> memref<128xi32, #tpu.memory_space<vmem>>
      %dma_start3A_861 = arith.constant 0 : i32
      %dma_start3A_862 = tpu.memref_slice %arg2[%dma_start3A_861] : memref<51200000xf32, #tpu.memory_space<hbm>> -> memref<51200000xf32, #tpu.memory_space<hbm>>
      tpu.enqueue_indirect_dma source(%dma_start3A_862 : memref<51200000xf32, #tpu.memory_space<hbm>>) target(%dma_start3A_857 : memref<128xf32, #tpu.memory_space<vmem>>) offsets(%dma_start3A_860 : memref<128xi32, #tpu.memory_space<vmem>>) semaphore(%arg8 : memref<!tpu.dma_semaphore, #tpu.memory_space<semaphore_mem>>)
      %mul3A_863 = arith.constant 8 : i32
      %mul3A_864 = arith.muli %scan3A_16, %mul3A_863 : i32
      %add3A_865 = arith.constant 5 : i32
      %add3A_866 = arith.addi %mul3A_864, %add3A_865 : i32
      %mul3A_867 = arith.constant 2 : i32
      %mul3A_868 = arith.muli %add3A_866, %mul3A_867 : i32
      %mul3A_869 = arith.constant 128 : i32
      %mul3A_870 = arith.muli %mul3A_868, %mul3A_869 : i32
      %dma_start3A_871 = arith.constant 5 : i32
      %dma_start3A_872 = tpu.memref_slice %arg7[%mul3A_870] : memref<32768xf32, #tpu.memory_space<vmem>> -> memref<128xf32, #tpu.memory_space<vmem>>
      %dma_start3A_873 = arith.constant 0 : i32
      %dma_start3A_874 = tpu.memref_slice %arg6[%scan3A_16, %dma_start3A_871, %dma_start3A_873] : memref<16x8x128xi32, #tpu.memory_space<vmem>> -> memref<1x1x128xi32, #tpu.memory_space<vmem>>
      %dma_start3A_875 = tpu.memref_squeeze %dma_start3A_874 : memref<1x1x128xi32, #tpu.memory_space<vmem>> -> memref<128xi32, #tpu.memory_space<vmem>>
      %dma_start3A_876 = arith.constant 0 : i32
      %dma_start3A_877 = tpu.memref_slice %arg2[%dma_start3A_876] : memref<51200000xf32, #tpu.memory_space<hbm>> -> memref<51200000xf32, #tpu.memory_space<hbm>>
      tpu.enqueue_indirect_dma source(%dma_start3A_877 : memref<51200000xf32, #tpu.memory_space<hbm>>) target(%dma_start3A_872 : memref<128xf32, #tpu.memory_space<vmem>>) offsets(%dma_start3A_875 : memref<128xi32, #tpu.memory_space<vmem>>) semaphore(%arg8 : memref<!tpu.dma_semaphore, #tpu.memory_space<semaphore_mem>>)
      %mul3A_878 = arith.constant 8 : i32
      %mul3A_879 = arith.muli %scan3A_16, %mul3A_878 : i32
      %add3A_880 = arith.constant 6 : i32
      %add3A_881 = arith.addi %mul3A_879, %add3A_880 : i32
      %mul3A_882 = arith.constant 2 : i32
      %mul3A_883 = arith.muli %add3A_881, %mul3A_882 : i32
      %mul3A_884 = arith.constant 128 : i32
      %mul3A_885 = arith.muli %mul3A_883, %mul3A_884 : i32
      %dma_start3A_886 = arith.constant 6 : i32
      %dma_start3A_887 = tpu.memref_slice %arg7[%mul3A_885] : memref<32768xf32, #tpu.memory_space<vmem>> -> memref<128xf32, #tpu.memory_space<vmem>>
      %dma_start3A_888 = arith.constant 0 : i32
      %dma_start3A_889 = tpu.memref_slice %arg6[%scan3A_16, %dma_start3A_886, %dma_start3A_888] : memref<16x8x128xi32, #tpu.memory_space<vmem>> -> memref<1x1x128xi32, #tpu.memory_space<vmem>>
      %dma_start3A_890 = tpu.memref_squeeze %dma_start3A_889 : memref<1x1x128xi32, #tpu.memory_space<vmem>> -> memref<128xi32, #tpu.memory_space<vmem>>
      %dma_start3A_891 = arith.constant 0 : i32
      %dma_start3A_892 = tpu.memref_slice %arg2[%dma_start3A_891] : memref<51200000xf32, #tpu.memory_space<hbm>> -> memref<51200000xf32, #tpu.memory_space<hbm>>
      tpu.enqueue_indirect_dma source(%dma_start3A_892 : memref<51200000xf32, #tpu.memory_space<hbm>>) target(%dma_start3A_887 : memref<128xf32, #tpu.memory_space<vmem>>) offsets(%dma_start3A_890 : memref<128xi32, #tpu.memory_space<vmem>>) semaphore(%arg8 : memref<!tpu.dma_semaphore, #tpu.memory_space<semaphore_mem>>)
      %mul3A_893 = arith.constant 8 : i32
      %mul3A_894 = arith.muli %scan3A_16, %mul3A_893 : i32
      %add3A_895 = arith.constant 7 : i32
      %add3A_896 = arith.addi %mul3A_894, %add3A_895 : i32
      %mul3A_897 = arith.constant 2 : i32
      %mul3A_898 = arith.muli %add3A_896, %mul3A_897 : i32
      %mul3A_899 = arith.constant 128 : i32
      %mul3A_900 = arith.muli %mul3A_898, %mul3A_899 : i32
      %dma_start3A_901 = arith.constant 7 : i32
      %dma_start3A_902 = tpu.memref_slice %arg7[%mul3A_900] : memref<32768xf32, #tpu.memory_space<vmem>> -> memref<128xf32, #tpu.memory_space<vmem>>
      %dma_start3A_903 = arith.constant 0 : i32
      %dma_start3A_904 = tpu.memref_slice %arg6[%scan3A_16, %dma_start3A_901, %dma_start3A_903] : memref<16x8x128xi32, #tpu.memory_space<vmem>> -> memref<1x1x128xi32, #tpu.memory_space<vmem>>
      %dma_start3A_905 = tpu.memref_squeeze %dma_start3A_904 : memref<1x1x128xi32, #tpu.memory_space<vmem>> -> memref<128xi32, #tpu.memory_space<vmem>>
      %dma_start3A_906 = arith.constant 0 : i32
      %dma_start3A_907 = tpu.memref_slice %arg2[%dma_start3A_906] : memref<51200000xf32, #tpu.memory_space<hbm>> -> memref<51200000xf32, #tpu.memory_space<hbm>>
      tpu.enqueue_indirect_dma source(%dma_start3A_907 : memref<51200000xf32, #tpu.memory_space<hbm>>) target(%dma_start3A_902 : memref<128xf32, #tpu.memory_space<vmem>>) offsets(%dma_start3A_905 : memref<128xi32, #tpu.memory_space<vmem>>) semaphore(%arg8 : memref<!tpu.dma_semaphore, #tpu.memory_space<semaphore_mem>>)
      %scan3A_908 = arith.constant 0 : i32
      scf.yield %scan3A_908 : i32
    }
    %scan3A_6 = arith.constant 16 : i32
    %dma_wait3A = arith.constant 0 : i32
    %dma_wait3A_7 = tpu.memref_slice %arg7[%dma_wait3A] : memref<32768xf32, #tpu.memory_space<vmem>> -> memref<16384xf32, #tpu.memory_space<vmem>>
    %dma_wait3A_8 = arith.constant 0 : i32
    %dma_wait3A_9 = tpu.memref_slice %arg2[%dma_wait3A_8] : memref<51200000xf32, #tpu.memory_space<hbm>> -> memref<16384xf32, #tpu.memory_space<hbm>>
    %dma_wait3A_10 = arith.constant 0 : i32
    %dma_wait3A_11 = tpu.memref_slice %arg7[%dma_wait3A_10] : memref<32768xf32, #tpu.memory_space<vmem>> -> memref<16384xf32, #tpu.memory_space<vmem>>
    %dma_wait3A_12 = arith.constant 0 : i32
    %dma_wait3A_13 = tpu.memref_slice %arg2[%dma_wait3A_12] : memref<51200000xf32, #tpu.memory_space<hbm>> -> memref<16384xf32, #tpu.memory_space<hbm>>
    tpu.wait_dma2 semaphore(%arg8 : memref<!tpu.dma_semaphore, #tpu.memory_space<semaphore_mem>>) src(%dma_wait3A_13 : memref<16384xf32, #tpu.memory_space<hbm>>) dst(%dma_wait3A_11 : memref<16384xf32, #tpu.memory_space<vmem>>)
    %mul3A_14 = arith.constant 32768 : i32
    %mul3A_15 = arith.muli %add3A, %mul3A_14 : i32
    "tpu.region"() ({
      %run_scoped3A = tpu.sem_alloc : memref<!tpu.dma_semaphore, #tpu.memory_space<semaphore_mem>>
      %dma_start3A = tpu.memref_slice %arg4[%mul3A_15] : memref<1048576xf32, #tpu.memory_space<hbm>> -> memref<32768xf32, #tpu.memory_space<hbm>>
      %dma_start3A_16 = tpu.memref_slice %arg4[%mul3A_15] : memref<1048576xf32, #tpu.memory_space<hbm>> -> memref<32768xf32, #tpu.memory_space<hbm>>
      tpu.enqueue_dma source(%arg7 : memref<32768xf32, #tpu.memory_space<vmem>>) target(%dma_start3A_16 : memref<32768xf32, #tpu.memory_space<hbm>>) target_semaphore(%run_scoped3A : memref<!tpu.dma_semaphore, #tpu.memory_space<semaphore_mem>>)
      %dma_wait3A_17 = tpu.memref_slice %arg4[%mul3A_15] : memref<1048576xf32, #tpu.memory_space<hbm>> -> memref<32768xf32, #tpu.memory_space<hbm>>
      %dma_wait3A_18 = tpu.memref_slice %arg4[%mul3A_15] : memref<1048576xf32, #tpu.memory_space<hbm>> -> memref<32768xf32, #tpu.memory_space<hbm>>
      tpu.wait_dma2 semaphore(%run_scoped3A : memref<!tpu.dma_semaphore, #tpu.memory_space<semaphore_mem>>) src(%arg7 : memref<32768xf32, #tpu.memory_space<vmem>>) dst(%dma_wait3A_18 : memref<32768xf32, #tpu.memory_space<hbm>>)
      tpu.yield
    }) : () -> ()
    return
  }
}

module attributes {stable_mosaic.version = 14 : i64} {
  func.func @_tc_body(%arg0: i32, %arg1: memref<1x256x128xf32, #tpu.memory_space<vmem>>, %arg2: memref<1x16x256x128xf32, #tpu.memory_space<vmem>>) attributes {dimension_semantics = [#tpu.dimension_semantics<arbitrary>], iteration_bounds = array<i64: 32>, scalar_prefetch = 0 : i64, scratch_operands = 0 : i64, tpu.core_type = #tpu.core_type<tc>, window_params = [{transform_indices = @transform_0, window_bounds = array<i64: 1, 256, 128>}, {transform_indices = @transform_1, window_bounds = array<i64: 1, 16, 256, 128>}]} {
    %get3A = arith.constant 0 : index
    %get3A_0 = arith.constant 0 : index
    %get3A_1 = arith.constant 0 : index
    %get3A_2 = vector.load %arg1[%get3A, %get3A_0, %get3A_1] : memref<1x256x128xf32, #tpu.memory_space<vmem>>, vector<1x256x128xf32>
    %get3A_3 = vector.shape_cast %get3A_2 : vector<1x256x128xf32> to vector<256x128xf32>
    %log3A = math.log %get3A_3 : vector<256x128xf32>
    %iota3A = tpu.iota {dimensions = array<i32: 0>} : vector<256x128xi32>
    %jit3A = arith.constant 2 : i32
    %eq3A = arith.constant 0 : i32
    %eq3A_4 = arith.cmpi eq, %jit3A, %eq3A : i32
    %jit3A_5 = arith.constant 1 : i32
    %select_n3A = arith.select %eq3A_4, %jit3A_5, %jit3A : i32
    %rem3A = vector.broadcast %select_n3A : i32 to vector<256x128xi32>
    %rem3A_6 = arith.remsi %iota3A, %rem3A : vector<256x128xi32>
    %ne3A = arith.constant 0 : i32
    %ne3A_7 = vector.broadcast %ne3A : i32 to vector<256x128xi32>
    %ne3A_8 = arith.cmpi ne, %rem3A_6, %ne3A_7 : vector<256x128xi32>
    %lt3A = arith.constant 0 : i32
    %lt3A_9 = vector.broadcast %lt3A : i32 to vector<256x128xi32>
    %lt3A_10 = arith.cmpi slt, %rem3A_6, %lt3A_9 : vector<256x128xi32>
    %lt3A_11 = arith.constant 0 : i32
    %lt3A_12 = arith.cmpi slt, %select_n3A, %lt3A_11 : i32
    %ne3A_13 = vector.broadcast %lt3A_12 : i1 to vector<256x128xi1>
    %ne3A_14 = vector.broadcast %ne3A_13 : vector<256x128xi1> to vector<256x128xi1>
    %ne3A_15 = arith.xori %lt3A_10, %ne3A_14 : vector<256x128xi1>
    %and3A = arith.andi %ne3A_15, %ne3A_8 : vector<256x128xi1>
    %add3A = vector.broadcast %select_n3A : i32 to vector<256x128xi32>
    %add3A_16 = arith.addi %rem3A_6, %add3A : vector<256x128xi32>
    %select_n3A_17 = arith.select %and3A, %add3A_16, %rem3A_6 : vector<256x128xi1>, vector<256x128xi32>
    %eq3A_18 = arith.constant 0 : i32
    %eq3A_19 = vector.broadcast %eq3A_18 : i32 to vector<256x128xi32>
    %eq3A_20 = arith.cmpi eq, %select_n3A_17, %eq3A_19 : vector<256x128xi32>
    %slice3A = vector.extract_strided_slice %log3A {offsets = [0, 0], sizes = [16, 128], strides = [1, 1]} : vector<256x128xf32> to vector<16x128xf32>
    %concatenate3A = tpu.concatenate %slice3A, %slice3A, %slice3A, %slice3A, %slice3A, %slice3A, %slice3A, %slice3A, %slice3A, %slice3A, %slice3A, %slice3A, %slice3A, %slice3A, %slice3A, %slice3A in 0 : vector<16x128xf32>, vector<16x128xf32>, vector<16x128xf32>, vector<16x128xf32>, vector<16x128xf32>, vector<16x128xf32>, vector<16x128xf32>, vector<16x128xf32>, vector<16x128xf32>, vector<16x128xf32>, vector<16x128xf32>, vector<16x128xf32>, vector<16x128xf32>, vector<16x128xf32>, vector<16x128xf32>, vector<16x128xf32> -> vector<256x128xf32>
    %add3A_21 = arith.addf %log3A, %concatenate3A : vector<256x128xf32>
    %jit3A_22 = arith.constant 0.000000e+00 : f32
    %broadcast_in_dim3A = vector.broadcast %jit3A_22 : f32 to vector<256x128xf32>
    %select_n3A_23 = arith.select %eq3A_20, %add3A_21, %broadcast_in_dim3A : vector<256x128xi1>, vector<256x128xf32>
    %swap3A = arith.constant 0 : index
    %swap3A_24 = arith.constant 0 : index
    %swap3A_25 = arith.constant 0 : index
    %swap3A_26 = arith.constant 0 : index
    %swap3A_27 = vector.load %arg2[%swap3A, %swap3A_24, %swap3A_25, %swap3A_26] : memref<1x16x256x128xf32, #tpu.memory_space<vmem>>, vector<1x1x256x128xf32>
    %swap3A_28 = vector.shape_cast %swap3A_27 : vector<1x1x256x128xf32> to vector<256x128xf32>
    %swap3A_29 = vector.shape_cast %select_n3A_23 : vector<256x128xf32> to vector<1x1x256x128xf32>
    tpu.vector_store %arg2[%swap3A, %swap3A_24, %swap3A_25, %swap3A_26], %swap3A_29 {strides = array<i32>} : memref<1x16x256x128xf32, #tpu.memory_space<vmem>>, vector<1x1x256x128xf32>,
    %slice3A_30 = vector.extract_strided_slice %log3A {offsets = [16, 0], sizes = [16, 128], strides = [1, 1]} : vector<256x128xf32> to vector<16x128xf32>
    %concatenate3A_31 = tpu.concatenate %slice3A_30, %slice3A_30, %slice3A_30, %slice3A_30, %slice3A_30, %slice3A_30, %slice3A_30, %slice3A_30, %slice3A_30, %slice3A_30, %slice3A_30, %slice3A_30, %slice3A_30, %slice3A_30, %slice3A_30, %slice3A_30 in 0 : vector<16x128xf32>, vector<16x128xf32>, vector<16x128xf32>, vector<16x128xf32>, vector<16x128xf32>, vector<16x128xf32>, vector<16x128xf32>, vector<16x128xf32>, vector<16x128xf32>, vector<16x128xf32>, vector<16x128xf32>, vector<16x128xf32>, vector<16x128xf32>, vector<16x128xf32>, vector<16x128xf32>, vector<16x128xf32> -> vector<256x128xf32>
    %add3A_32 = arith.addf %log3A, %concatenate3A_31 : vector<256x128xf32>
    %jit3A_33 = arith.constant 0.000000e+00 : f32
    %broadcast_in_dim3A_34 = vector.broadcast %jit3A_33 : f32 to vector<256x128xf32>
    %select_n3A_35 = arith.select %eq3A_20, %add3A_32, %broadcast_in_dim3A_34 : vector<256x128xi1>, vector<256x128xf32>
    %swap3A_36 = arith.constant 0 : index
    %swap3A_37 = arith.constant 1 : index
    %swap3A_38 = arith.constant 0 : index
    %swap3A_39 = arith.constant 0 : index
    %swap3A_40 = vector.load %arg2[%swap3A_36, %swap3A_37, %swap3A_38, %swap3A_39] : memref<1x16x256x128xf32, #tpu.memory_space<vmem>>, vector<1x1x256x128xf32>
    %swap3A_41 = vector.shape_cast %swap3A_40 : vector<1x1x256x128xf32> to vector<256x128xf32>
    %swap3A_42 = vector.shape_cast %select_n3A_35 : vector<256x128xf32> to vector<1x1x256x128xf32>
    tpu.vector_store %arg2[%swap3A_36, %swap3A_37, %swap3A_38, %swap3A_39], %swap3A_42 {strides = array<i32>} : memref<1x16x256x128xf32, #tpu.memory_space<vmem>>, vector<1x1x256x128xf32>,
    %slice3A_43 = vector.extract_strided_slice %log3A {offsets = [32, 0], sizes = [16, 128], strides = [1, 1]} : vector<256x128xf32> to vector<16x128xf32>
    %concatenate3A_44 = tpu.concatenate %slice3A_43, %slice3A_43, %slice3A_43, %slice3A_43, %slice3A_43, %slice3A_43, %slice3A_43, %slice3A_43, %slice3A_43, %slice3A_43, %slice3A_43, %slice3A_43, %slice3A_43, %slice3A_43, %slice3A_43, %slice3A_43 in 0 : vector<16x128xf32>, vector<16x128xf32>, vector<16x128xf32>, vector<16x128xf32>, vector<16x128xf32>, vector<16x128xf32>, vector<16x128xf32>, vector<16x128xf32>, vector<16x128xf32>, vector<16x128xf32>, vector<16x128xf32>, vector<16x128xf32>, vector<16x128xf32>, vector<16x128xf32>, vector<16x128xf32>, vector<16x128xf32> -> vector<256x128xf32>
    %add3A_45 = arith.addf %log3A, %concatenate3A_44 : vector<256x128xf32>
    %jit3A_46 = arith.constant 0.000000e+00 : f32
    %broadcast_in_dim3A_47 = vector.broadcast %jit3A_46 : f32 to vector<256x128xf32>
    %select_n3A_48 = arith.select %eq3A_20, %add3A_45, %broadcast_in_dim3A_47 : vector<256x128xi1>, vector<256x128xf32>
    %swap3A_49 = arith.constant 0 : index
    %swap3A_50 = arith.constant 2 : index
    %swap3A_51 = arith.constant 0 : index
    %swap3A_52 = arith.constant 0 : index
    %swap3A_53 = vector.load %arg2[%swap3A_49, %swap3A_50, %swap3A_51, %swap3A_52] : memref<1x16x256x128xf32, #tpu.memory_space<vmem>>, vector<1x1x256x128xf32>
    %swap3A_54 = vector.shape_cast %swap3A_53 : vector<1x1x256x128xf32> to vector<256x128xf32>
    %swap3A_55 = vector.shape_cast %select_n3A_48 : vector<256x128xf32> to vector<1x1x256x128xf32>
    tpu.vector_store %arg2[%swap3A_49, %swap3A_50, %swap3A_51, %swap3A_52], %swap3A_55 {strides = array<i32>} : memref<1x16x256x128xf32, #tpu.memory_space<vmem>>, vector<1x1x256x128xf32>,
    %slice3A_56 = vector.extract_strided_slice %log3A {offsets = [48, 0], sizes = [16, 128], strides = [1, 1]} : vector<256x128xf32> to vector<16x128xf32>
    %concatenate3A_57 = tpu.concatenate %slice3A_56, %slice3A_56, %slice3A_56, %slice3A_56, %slice3A_56, %slice3A_56, %slice3A_56, %slice3A_56, %slice3A_56, %slice3A_56, %slice3A_56, %slice3A_56, %slice3A_56, %slice3A_56, %slice3A_56, %slice3A_56 in 0 : vector<16x128xf32>, vector<16x128xf32>, vector<16x128xf32>, vector<16x128xf32>, vector<16x128xf32>, vector<16x128xf32>, vector<16x128xf32>, vector<16x128xf32>, vector<16x128xf32>, vector<16x128xf32>, vector<16x128xf32>, vector<16x128xf32>, vector<16x128xf32>, vector<16x128xf32>, vector<16x128xf32>, vector<16x128xf32> -> vector<256x128xf32>
    %add3A_58 = arith.addf %log3A, %concatenate3A_57 : vector<256x128xf32>
    %jit3A_59 = arith.constant 0.000000e+00 : f32
    %broadcast_in_dim3A_60 = vector.broadcast %jit3A_59 : f32 to vector<256x128xf32>
    %select_n3A_61 = arith.select %eq3A_20, %add3A_58, %broadcast_in_dim3A_60 : vector<256x128xi1>, vector<256x128xf32>
    %swap3A_62 = arith.constant 0 : index
    %swap3A_63 = arith.constant 3 : index
    %swap3A_64 = arith.constant 0 : index
    %swap3A_65 = arith.constant 0 : index
    %swap3A_66 = vector.load %arg2[%swap3A_62, %swap3A_63, %swap3A_64, %swap3A_65] : memref<1x16x256x128xf32, #tpu.memory_space<vmem>>, vector<1x1x256x128xf32>
    %swap3A_67 = vector.shape_cast %swap3A_66 : vector<1x1x256x128xf32> to vector<256x128xf32>
    %swap3A_68 = vector.shape_cast %select_n3A_61 : vector<256x128xf32> to vector<1x1x256x128xf32>
    tpu.vector_store %arg2[%swap3A_62, %swap3A_63, %swap3A_64, %swap3A_65], %swap3A_68 {strides = array<i32>} : memref<1x16x256x128xf32, #tpu.memory_space<vmem>>, vector<1x1x256x128xf32>,
    %slice3A_69 = vector.extract_strided_slice %log3A {offsets = [64, 0], sizes = [16, 128], strides = [1, 1]} : vector<256x128xf32> to vector<16x128xf32>
    %concatenate3A_70 = tpu.concatenate %slice3A_69, %slice3A_69, %slice3A_69, %slice3A_69, %slice3A_69, %slice3A_69, %slice3A_69, %slice3A_69, %slice3A_69, %slice3A_69, %slice3A_69, %slice3A_69, %slice3A_69, %slice3A_69, %slice3A_69, %slice3A_69 in 0 : vector<16x128xf32>, vector<16x128xf32>, vector<16x128xf32>, vector<16x128xf32>, vector<16x128xf32>, vector<16x128xf32>, vector<16x128xf32>, vector<16x128xf32>, vector<16x128xf32>, vector<16x128xf32>, vector<16x128xf32>, vector<16x128xf32>, vector<16x128xf32>, vector<16x128xf32>, vector<16x128xf32>, vector<16x128xf32> -> vector<256x128xf32>
    %add3A_71 = arith.addf %log3A, %concatenate3A_70 : vector<256x128xf32>
    %jit3A_72 = arith.constant 0.000000e+00 : f32
    %broadcast_in_dim3A_73 = vector.broadcast %jit3A_72 : f32 to vector<256x128xf32>
    %select_n3A_74 = arith.select %eq3A_20, %add3A_71, %broadcast_in_dim3A_73 : vector<256x128xi1>, vector<256x128xf32>
    %swap3A_75 = arith.constant 0 : index
    %swap3A_76 = arith.constant 4 : index
    %swap3A_77 = arith.constant 0 : index
    %swap3A_78 = arith.constant 0 : index
    %swap3A_79 = vector.load %arg2[%swap3A_75, %swap3A_76, %swap3A_77, %swap3A_78] : memref<1x16x256x128xf32, #tpu.memory_space<vmem>>, vector<1x1x256x128xf32>
    %swap3A_80 = vector.shape_cast %swap3A_79 : vector<1x1x256x128xf32> to vector<256x128xf32>
    %swap3A_81 = vector.shape_cast %select_n3A_74 : vector<256x128xf32> to vector<1x1x256x128xf32>
    tpu.vector_store %arg2[%swap3A_75, %swap3A_76, %swap3A_77, %swap3A_78], %swap3A_81 {strides = array<i32>} : memref<1x16x256x128xf32, #tpu.memory_space<vmem>>, vector<1x1x256x128xf32>,
    %slice3A_82 = vector.extract_strided_slice %log3A {offsets = [80, 0], sizes = [16, 128], strides = [1, 1]} : vector<256x128xf32> to vector<16x128xf32>
    %concatenate3A_83 = tpu.concatenate %slice3A_82, %slice3A_82, %slice3A_82, %slice3A_82, %slice3A_82, %slice3A_82, %slice3A_82, %slice3A_82, %slice3A_82, %slice3A_82, %slice3A_82, %slice3A_82, %slice3A_82, %slice3A_82, %slice3A_82, %slice3A_82 in 0 : vector<16x128xf32>, vector<16x128xf32>, vector<16x128xf32>, vector<16x128xf32>, vector<16x128xf32>, vector<16x128xf32>, vector<16x128xf32>, vector<16x128xf32>, vector<16x128xf32>, vector<16x128xf32>, vector<16x128xf32>, vector<16x128xf32>, vector<16x128xf32>, vector<16x128xf32>, vector<16x128xf32>, vector<16x128xf32> -> vector<256x128xf32>
    %add3A_84 = arith.addf %log3A, %concatenate3A_83 : vector<256x128xf32>
    %jit3A_85 = arith.constant 0.000000e+00 : f32
    %broadcast_in_dim3A_86 = vector.broadcast %jit3A_85 : f32 to vector<256x128xf32>
    %select_n3A_87 = arith.select %eq3A_20, %add3A_84, %broadcast_in_dim3A_86 : vector<256x128xi1>, vector<256x128xf32>
    %swap3A_88 = arith.constant 0 : index
    %swap3A_89 = arith.constant 5 : index
    %swap3A_90 = arith.constant 0 : index
    %swap3A_91 = arith.constant 0 : index
    %swap3A_92 = vector.load %arg2[%swap3A_88, %swap3A_89, %swap3A_90, %swap3A_91] : memref<1x16x256x128xf32, #tpu.memory_space<vmem>>, vector<1x1x256x128xf32>
    %swap3A_93 = vector.shape_cast %swap3A_92 : vector<1x1x256x128xf32> to vector<256x128xf32>
    %swap3A_94 = vector.shape_cast %select_n3A_87 : vector<256x128xf32> to vector<1x1x256x128xf32>
    tpu.vector_store %arg2[%swap3A_88, %swap3A_89, %swap3A_90, %swap3A_91], %swap3A_94 {strides = array<i32>} : memref<1x16x256x128xf32, #tpu.memory_space<vmem>>, vector<1x1x256x128xf32>,
    %slice3A_95 = vector.extract_strided_slice %log3A {offsets = [96, 0], sizes = [16, 128], strides = [1, 1]} : vector<256x128xf32> to vector<16x128xf32>
    %concatenate3A_96 = tpu.concatenate %slice3A_95, %slice3A_95, %slice3A_95, %slice3A_95, %slice3A_95, %slice3A_95, %slice3A_95, %slice3A_95, %slice3A_95, %slice3A_95, %slice3A_95, %slice3A_95, %slice3A_95, %slice3A_95, %slice3A_95, %slice3A_95 in 0 : vector<16x128xf32>, vector<16x128xf32>, vector<16x128xf32>, vector<16x128xf32>, vector<16x128xf32>, vector<16x128xf32>, vector<16x128xf32>, vector<16x128xf32>, vector<16x128xf32>, vector<16x128xf32>, vector<16x128xf32>, vector<16x128xf32>, vector<16x128xf32>, vector<16x128xf32>, vector<16x128xf32>, vector<16x128xf32> -> vector<256x128xf32>
    %add3A_97 = arith.addf %log3A, %concatenate3A_96 : vector<256x128xf32>
    %jit3A_98 = arith.constant 0.000000e+00 : f32
    %broadcast_in_dim3A_99 = vector.broadcast %jit3A_98 : f32 to vector<256x128xf32>
    %select_n3A_100 = arith.select %eq3A_20, %add3A_97, %broadcast_in_dim3A_99 : vector<256x128xi1>, vector<256x128xf32>
    %swap3A_101 = arith.constant 0 : index
    %swap3A_102 = arith.constant 6 : index
    %swap3A_103 = arith.constant 0 : index
    %swap3A_104 = arith.constant 0 : index
    %swap3A_105 = vector.load %arg2[%swap3A_101, %swap3A_102, %swap3A_103, %swap3A_104] : memref<1x16x256x128xf32, #tpu.memory_space<vmem>>, vector<1x1x256x128xf32>
    %swap3A_106 = vector.shape_cast %swap3A_105 : vector<1x1x256x128xf32> to vector<256x128xf32>
    %swap3A_107 = vector.shape_cast %select_n3A_100 : vector<256x128xf32> to vector<1x1x256x128xf32>
    tpu.vector_store %arg2[%swap3A_101, %swap3A_102, %swap3A_103, %swap3A_104], %swap3A_107 {strides = array<i32>} : memref<1x16x256x128xf32, #tpu.memory_space<vmem>>, vector<1x1x256x128xf32>,
    %slice3A_108 = vector.extract_strided_slice %log3A {offsets = [112, 0], sizes = [16, 128], strides = [1, 1]} : vector<256x128xf32> to vector<16x128xf32>
    %concatenate3A_109 = tpu.concatenate %slice3A_108, %slice3A_108, %slice3A_108, %slice3A_108, %slice3A_108, %slice3A_108, %slice3A_108, %slice3A_108, %slice3A_108, %slice3A_108, %slice3A_108, %slice3A_108, %slice3A_108, %slice3A_108, %slice3A_108, %slice3A_108 in 0 : vector<16x128xf32>, vector<16x128xf32>, vector<16x128xf32>, vector<16x128xf32>, vector<16x128xf32>, vector<16x128xf32>, vector<16x128xf32>, vector<16x128xf32>, vector<16x128xf32>, vector<16x128xf32>, vector<16x128xf32>, vector<16x128xf32>, vector<16x128xf32>, vector<16x128xf32>, vector<16x128xf32>, vector<16x128xf32> -> vector<256x128xf32>
    %add3A_110 = arith.addf %log3A, %concatenate3A_109 : vector<256x128xf32>
    %jit3A_111 = arith.constant 0.000000e+00 : f32
    %broadcast_in_dim3A_112 = vector.broadcast %jit3A_111 : f32 to vector<256x128xf32>
    %select_n3A_113 = arith.select %eq3A_20, %add3A_110, %broadcast_in_dim3A_112 : vector<256x128xi1>, vector<256x128xf32>
    %swap3A_114 = arith.constant 0 : index
    %swap3A_115 = arith.constant 7 : index
    %swap3A_116 = arith.constant 0 : index
    %swap3A_117 = arith.constant 0 : index
    %swap3A_118 = vector.load %arg2[%swap3A_114, %swap3A_115, %swap3A_116, %swap3A_117] : memref<1x16x256x128xf32, #tpu.memory_space<vmem>>, vector<1x1x256x128xf32>
    %swap3A_119 = vector.shape_cast %swap3A_118 : vector<1x1x256x128xf32> to vector<256x128xf32>
    %swap3A_120 = vector.shape_cast %select_n3A_113 : vector<256x128xf32> to vector<1x1x256x128xf32>
    tpu.vector_store %arg2[%swap3A_114, %swap3A_115, %swap3A_116, %swap3A_117], %swap3A_120 {strides = array<i32>} : memref<1x16x256x128xf32, #tpu.memory_space<vmem>>, vector<1x1x256x128xf32>,
    %slice3A_121 = vector.extract_strided_slice %log3A {offsets = [128, 0], sizes = [16, 128], strides = [1, 1]} : vector<256x128xf32> to vector<16x128xf32>
    %concatenate3A_122 = tpu.concatenate %slice3A_121, %slice3A_121, %slice3A_121, %slice3A_121, %slice3A_121, %slice3A_121, %slice3A_121, %slice3A_121, %slice3A_121, %slice3A_121, %slice3A_121, %slice3A_121, %slice3A_121, %slice3A_121, %slice3A_121, %slice3A_121 in 0 : vector<16x128xf32>, vector<16x128xf32>, vector<16x128xf32>, vector<16x128xf32>, vector<16x128xf32>, vector<16x128xf32>, vector<16x128xf32>, vector<16x128xf32>, vector<16x128xf32>, vector<16x128xf32>, vector<16x128xf32>, vector<16x128xf32>, vector<16x128xf32>, vector<16x128xf32>, vector<16x128xf32>, vector<16x128xf32> -> vector<256x128xf32>
    %add3A_123 = arith.addf %log3A, %concatenate3A_122 : vector<256x128xf32>
    %jit3A_124 = arith.constant 0.000000e+00 : f32
    %broadcast_in_dim3A_125 = vector.broadcast %jit3A_124 : f32 to vector<256x128xf32>
    %select_n3A_126 = arith.select %eq3A_20, %add3A_123, %broadcast_in_dim3A_125 : vector<256x128xi1>, vector<256x128xf32>
    %swap3A_127 = arith.constant 0 : index
    %swap3A_128 = arith.constant 8 : index
    %swap3A_129 = arith.constant 0 : index
    %swap3A_130 = arith.constant 0 : index
    %swap3A_131 = vector.load %arg2[%swap3A_127, %swap3A_128, %swap3A_129, %swap3A_130] : memref<1x16x256x128xf32, #tpu.memory_space<vmem>>, vector<1x1x256x128xf32>
    %swap3A_132 = vector.shape_cast %swap3A_131 : vector<1x1x256x128xf32> to vector<256x128xf32>
    %swap3A_133 = vector.shape_cast %select_n3A_126 : vector<256x128xf32> to vector<1x1x256x128xf32>
    tpu.vector_store %arg2[%swap3A_127, %swap3A_128, %swap3A_129, %swap3A_130], %swap3A_133 {strides = array<i32>} : memref<1x16x256x128xf32, #tpu.memory_space<vmem>>, vector<1x1x256x128xf32>,
    %slice3A_134 = vector.extract_strided_slice %log3A {offsets = [144, 0], sizes = [16, 128], strides = [1, 1]} : vector<256x128xf32> to vector<16x128xf32>
    %concatenate3A_135 = tpu.concatenate %slice3A_134, %slice3A_134, %slice3A_134, %slice3A_134, %slice3A_134, %slice3A_134, %slice3A_134, %slice3A_134, %slice3A_134, %slice3A_134, %slice3A_134, %slice3A_134, %slice3A_134, %slice3A_134, %slice3A_134, %slice3A_134 in 0 : vector<16x128xf32>, vector<16x128xf32>, vector<16x128xf32>, vector<16x128xf32>, vector<16x128xf32>, vector<16x128xf32>, vector<16x128xf32>, vector<16x128xf32>, vector<16x128xf32>, vector<16x128xf32>, vector<16x128xf32>, vector<16x128xf32>, vector<16x128xf32>, vector<16x128xf32>, vector<16x128xf32>, vector<16x128xf32> -> vector<256x128xf32>
    %add3A_136 = arith.addf %log3A, %concatenate3A_135 : vector<256x128xf32>
    %jit3A_137 = arith.constant 0.000000e+00 : f32
    %broadcast_in_dim3A_138 = vector.broadcast %jit3A_137 : f32 to vector<256x128xf32>
    %select_n3A_139 = arith.select %eq3A_20, %add3A_136, %broadcast_in_dim3A_138 : vector<256x128xi1>, vector<256x128xf32>
    %swap3A_140 = arith.constant 0 : index
    %swap3A_141 = arith.constant 9 : index
    %swap3A_142 = arith.constant 0 : index
    %swap3A_143 = arith.constant 0 : index
    %swap3A_144 = vector.load %arg2[%swap3A_140, %swap3A_141, %swap3A_142, %swap3A_143] : memref<1x16x256x128xf32, #tpu.memory_space<vmem>>, vector<1x1x256x128xf32>
    %swap3A_145 = vector.shape_cast %swap3A_144 : vector<1x1x256x128xf32> to vector<256x128xf32>
    %swap3A_146 = vector.shape_cast %select_n3A_139 : vector<256x128xf32> to vector<1x1x256x128xf32>
    tpu.vector_store %arg2[%swap3A_140, %swap3A_141, %swap3A_142, %swap3A_143], %swap3A_146 {strides = array<i32>} : memref<1x16x256x128xf32, #tpu.memory_space<vmem>>, vector<1x1x256x128xf32>,
    %slice3A_147 = vector.extract_strided_slice %log3A {offsets = [160, 0], sizes = [16, 128], strides = [1, 1]} : vector<256x128xf32> to vector<16x128xf32>
    %concatenate3A_148 = tpu.concatenate %slice3A_147, %slice3A_147, %slice3A_147, %slice3A_147, %slice3A_147, %slice3A_147, %slice3A_147, %slice3A_147, %slice3A_147, %slice3A_147, %slice3A_147, %slice3A_147, %slice3A_147, %slice3A_147, %slice3A_147, %slice3A_147 in 0 : vector<16x128xf32>, vector<16x128xf32>, vector<16x128xf32>, vector<16x128xf32>, vector<16x128xf32>, vector<16x128xf32>, vector<16x128xf32>, vector<16x128xf32>, vector<16x128xf32>, vector<16x128xf32>, vector<16x128xf32>, vector<16x128xf32>, vector<16x128xf32>, vector<16x128xf32>, vector<16x128xf32>, vector<16x128xf32> -> vector<256x128xf32>
    %add3A_149 = arith.addf %log3A, %concatenate3A_148 : vector<256x128xf32>
    %jit3A_150 = arith.constant 0.000000e+00 : f32
    %broadcast_in_dim3A_151 = vector.broadcast %jit3A_150 : f32 to vector<256x128xf32>
    %select_n3A_152 = arith.select %eq3A_20, %add3A_149, %broadcast_in_dim3A_151 : vector<256x128xi1>, vector<256x128xf32>
    %swap3A_153 = arith.constant 0 : index
    %swap3A_154 = arith.constant 10 : index
    %swap3A_155 = arith.constant 0 : index
    %swap3A_156 = arith.constant 0 : index
    %swap3A_157 = vector.load %arg2[%swap3A_153, %swap3A_154, %swap3A_155, %swap3A_156] : memref<1x16x256x128xf32, #tpu.memory_space<vmem>>, vector<1x1x256x128xf32>
    %swap3A_158 = vector.shape_cast %swap3A_157 : vector<1x1x256x128xf32> to vector<256x128xf32>
    %swap3A_159 = vector.shape_cast %select_n3A_152 : vector<256x128xf32> to vector<1x1x256x128xf32>
    tpu.vector_store %arg2[%swap3A_153, %swap3A_154, %swap3A_155, %swap3A_156], %swap3A_159 {strides = array<i32>} : memref<1x16x256x128xf32, #tpu.memory_space<vmem>>, vector<1x1x256x128xf32>,
    %slice3A_160 = vector.extract_strided_slice %log3A {offsets = [176, 0], sizes = [16, 128], strides = [1, 1]} : vector<256x128xf32> to vector<16x128xf32>
    %concatenate3A_161 = tpu.concatenate %slice3A_160, %slice3A_160, %slice3A_160, %slice3A_160, %slice3A_160, %slice3A_160, %slice3A_160, %slice3A_160, %slice3A_160, %slice3A_160, %slice3A_160, %slice3A_160, %slice3A_160, %slice3A_160, %slice3A_160, %slice3A_160 in 0 : vector<16x128xf32>, vector<16x128xf32>, vector<16x128xf32>, vector<16x128xf32>, vector<16x128xf32>, vector<16x128xf32>, vector<16x128xf32>, vector<16x128xf32>, vector<16x128xf32>, vector<16x128xf32>, vector<16x128xf32>, vector<16x128xf32>, vector<16x128xf32>, vector<16x128xf32>, vector<16x128xf32>, vector<16x128xf32> -> vector<256x128xf32>
    %add3A_162 = arith.addf %log3A, %concatenate3A_161 : vector<256x128xf32>
    %jit3A_163 = arith.constant 0.000000e+00 : f32
    %broadcast_in_dim3A_164 = vector.broadcast %jit3A_163 : f32 to vector<256x128xf32>
    %select_n3A_165 = arith.select %eq3A_20, %add3A_162, %broadcast_in_dim3A_164 : vector<256x128xi1>, vector<256x128xf32>
    %swap3A_166 = arith.constant 0 : index
    %swap3A_167 = arith.constant 11 : index
    %swap3A_168 = arith.constant 0 : index
    %swap3A_169 = arith.constant 0 : index
    %swap3A_170 = vector.load %arg2[%swap3A_166, %swap3A_167, %swap3A_168, %swap3A_169] : memref<1x16x256x128xf32, #tpu.memory_space<vmem>>, vector<1x1x256x128xf32>
    %swap3A_171 = vector.shape_cast %swap3A_170 : vector<1x1x256x128xf32> to vector<256x128xf32>
    %swap3A_172 = vector.shape_cast %select_n3A_165 : vector<256x128xf32> to vector<1x1x256x128xf32>
    tpu.vector_store %arg2[%swap3A_166, %swap3A_167, %swap3A_168, %swap3A_169], %swap3A_172 {strides = array<i32>} : memref<1x16x256x128xf32, #tpu.memory_space<vmem>>, vector<1x1x256x128xf32>,
    %slice3A_173 = vector.extract_strided_slice %log3A {offsets = [192, 0], sizes = [16, 128], strides = [1, 1]} : vector<256x128xf32> to vector<16x128xf32>
    %concatenate3A_174 = tpu.concatenate %slice3A_173, %slice3A_173, %slice3A_173, %slice3A_173, %slice3A_173, %slice3A_173, %slice3A_173, %slice3A_173, %slice3A_173, %slice3A_173, %slice3A_173, %slice3A_173, %slice3A_173, %slice3A_173, %slice3A_173, %slice3A_173 in 0 : vector<16x128xf32>, vector<16x128xf32>, vector<16x128xf32>, vector<16x128xf32>, vector<16x128xf32>, vector<16x128xf32>, vector<16x128xf32>, vector<16x128xf32>, vector<16x128xf32>, vector<16x128xf32>, vector<16x128xf32>, vector<16x128xf32>, vector<16x128xf32>, vector<16x128xf32>, vector<16x128xf32>, vector<16x128xf32> -> vector<256x128xf32>
    %add3A_175 = arith.addf %log3A, %concatenate3A_174 : vector<256x128xf32>
    %jit3A_176 = arith.constant 0.000000e+00 : f32
    %broadcast_in_dim3A_177 = vector.broadcast %jit3A_176 : f32 to vector<256x128xf32>
    %select_n3A_178 = arith.select %eq3A_20, %add3A_175, %broadcast_in_dim3A_177 : vector<256x128xi1>, vector<256x128xf32>
    %swap3A_179 = arith.constant 0 : index
    %swap3A_180 = arith.constant 12 : index
    %swap3A_181 = arith.constant 0 : index
    %swap3A_182 = arith.constant 0 : index
    %swap3A_183 = vector.load %arg2[%swap3A_179, %swap3A_180, %swap3A_181, %swap3A_182] : memref<1x16x256x128xf32, #tpu.memory_space<vmem>>, vector<1x1x256x128xf32>
    %swap3A_184 = vector.shape_cast %swap3A_183 : vector<1x1x256x128xf32> to vector<256x128xf32>
    %swap3A_185 = vector.shape_cast %select_n3A_178 : vector<256x128xf32> to vector<1x1x256x128xf32>
    tpu.vector_store %arg2[%swap3A_179, %swap3A_180, %swap3A_181, %swap3A_182], %swap3A_185 {strides = array<i32>} : memref<1x16x256x128xf32, #tpu.memory_space<vmem>>, vector<1x1x256x128xf32>,
    %slice3A_186 = vector.extract_strided_slice %log3A {offsets = [208, 0], sizes = [16, 128], strides = [1, 1]} : vector<256x128xf32> to vector<16x128xf32>
    %concatenate3A_187 = tpu.concatenate %slice3A_186, %slice3A_186, %slice3A_186, %slice3A_186, %slice3A_186, %slice3A_186, %slice3A_186, %slice3A_186, %slice3A_186, %slice3A_186, %slice3A_186, %slice3A_186, %slice3A_186, %slice3A_186, %slice3A_186, %slice3A_186 in 0 : vector<16x128xf32>, vector<16x128xf32>, vector<16x128xf32>, vector<16x128xf32>, vector<16x128xf32>, vector<16x128xf32>, vector<16x128xf32>, vector<16x128xf32>, vector<16x128xf32>, vector<16x128xf32>, vector<16x128xf32>, vector<16x128xf32>, vector<16x128xf32>, vector<16x128xf32>, vector<16x128xf32>, vector<16x128xf32> -> vector<256x128xf32>
    %add3A_188 = arith.addf %log3A, %concatenate3A_187 : vector<256x128xf32>
    %jit3A_189 = arith.constant 0.000000e+00 : f32
    %broadcast_in_dim3A_190 = vector.broadcast %jit3A_189 : f32 to vector<256x128xf32>
    %select_n3A_191 = arith.select %eq3A_20, %add3A_188, %broadcast_in_dim3A_190 : vector<256x128xi1>, vector<256x128xf32>
    %swap3A_192 = arith.constant 0 : index
    %swap3A_193 = arith.constant 13 : index
    %swap3A_194 = arith.constant 0 : index
    %swap3A_195 = arith.constant 0 : index
    %swap3A_196 = vector.load %arg2[%swap3A_192, %swap3A_193, %swap3A_194, %swap3A_195] : memref<1x16x256x128xf32, #tpu.memory_space<vmem>>, vector<1x1x256x128xf32>
    %swap3A_197 = vector.shape_cast %swap3A_196 : vector<1x1x256x128xf32> to vector<256x128xf32>
    %swap3A_198 = vector.shape_cast %select_n3A_191 : vector<256x128xf32> to vector<1x1x256x128xf32>
    tpu.vector_store %arg2[%swap3A_192, %swap3A_193, %swap3A_194, %swap3A_195], %swap3A_198 {strides = array<i32>} : memref<1x16x256x128xf32, #tpu.memory_space<vmem>>, vector<1x1x256x128xf32>,
    %slice3A_199 = vector.extract_strided_slice %log3A {offsets = [224, 0], sizes = [16, 128], strides = [1, 1]} : vector<256x128xf32> to vector<16x128xf32>
    %concatenate3A_200 = tpu.concatenate %slice3A_199, %slice3A_199, %slice3A_199, %slice3A_199, %slice3A_199, %slice3A_199, %slice3A_199, %slice3A_199, %slice3A_199, %slice3A_199, %slice3A_199, %slice3A_199, %slice3A_199, %slice3A_199, %slice3A_199, %slice3A_199 in 0 : vector<16x128xf32>, vector<16x128xf32>, vector<16x128xf32>, vector<16x128xf32>, vector<16x128xf32>, vector<16x128xf32>, vector<16x128xf32>, vector<16x128xf32>, vector<16x128xf32>, vector<16x128xf32>, vector<16x128xf32>, vector<16x128xf32>, vector<16x128xf32>, vector<16x128xf32>, vector<16x128xf32>, vector<16x128xf32> -> vector<256x128xf32>
    %add3A_201 = arith.addf %log3A, %concatenate3A_200 : vector<256x128xf32>
    %jit3A_202 = arith.constant 0.000000e+00 : f32
    %broadcast_in_dim3A_203 = vector.broadcast %jit3A_202 : f32 to vector<256x128xf32>
    %select_n3A_204 = arith.select %eq3A_20, %add3A_201, %broadcast_in_dim3A_203 : vector<256x128xi1>, vector<256x128xf32>
    %swap3A_205 = arith.constant 0 : index
    %swap3A_206 = arith.constant 14 : index
    %swap3A_207 = arith.constant 0 : index
    %swap3A_208 = arith.constant 0 : index
    %swap3A_209 = vector.load %arg2[%swap3A_205, %swap3A_206, %swap3A_207, %swap3A_208] : memref<1x16x256x128xf32, #tpu.memory_space<vmem>>, vector<1x1x256x128xf32>
    %swap3A_210 = vector.shape_cast %swap3A_209 : vector<1x1x256x128xf32> to vector<256x128xf32>
    %swap3A_211 = vector.shape_cast %select_n3A_204 : vector<256x128xf32> to vector<1x1x256x128xf32>
    tpu.vector_store %arg2[%swap3A_205, %swap3A_206, %swap3A_207, %swap3A_208], %swap3A_211 {strides = array<i32>} : memref<1x16x256x128xf32, #tpu.memory_space<vmem>>, vector<1x1x256x128xf32>,
    %slice3A_212 = vector.extract_strided_slice %log3A {offsets = [240, 0], sizes = [16, 128], strides = [1, 1]} : vector<256x128xf32> to vector<16x128xf32>
    %concatenate3A_213 = tpu.concatenate %slice3A_212, %slice3A_212, %slice3A_212, %slice3A_212, %slice3A_212, %slice3A_212, %slice3A_212, %slice3A_212, %slice3A_212, %slice3A_212, %slice3A_212, %slice3A_212, %slice3A_212, %slice3A_212, %slice3A_212, %slice3A_212 in 0 : vector<16x128xf32>, vector<16x128xf32>, vector<16x128xf32>, vector<16x128xf32>, vector<16x128xf32>, vector<16x128xf32>, vector<16x128xf32>, vector<16x128xf32>, vector<16x128xf32>, vector<16x128xf32>, vector<16x128xf32>, vector<16x128xf32>, vector<16x128xf32>, vector<16x128xf32>, vector<16x128xf32>, vector<16x128xf32> -> vector<256x128xf32>
    %add3A_214 = arith.addf %log3A, %concatenate3A_213 : vector<256x128xf32>
    %jit3A_215 = arith.constant 0.000000e+00 : f32
    %broadcast_in_dim3A_216 = vector.broadcast %jit3A_215 : f32 to vector<256x128xf32>
    %select_n3A_217 = arith.select %eq3A_20, %add3A_214, %broadcast_in_dim3A_216 : vector<256x128xi1>, vector<256x128xf32>
    %swap3A_218 = arith.constant 0 : index
    %swap3A_219 = arith.constant 15 : index
    %swap3A_220 = arith.constant 0 : index
    %swap3A_221 = arith.constant 0 : index
    %swap3A_222 = vector.load %arg2[%swap3A_218, %swap3A_219, %swap3A_220, %swap3A_221] : memref<1x16x256x128xf32, #tpu.memory_space<vmem>>, vector<1x1x256x128xf32>
    %swap3A_223 = vector.shape_cast %swap3A_222 : vector<1x1x256x128xf32> to vector<256x128xf32>
    %swap3A_224 = vector.shape_cast %select_n3A_217 : vector<256x128xf32> to vector<1x1x256x128xf32>
    tpu.vector_store %arg2[%swap3A_218, %swap3A_219, %swap3A_220, %swap3A_221], %swap3A_224 {strides = array<i32>} : memref<1x16x256x128xf32, #tpu.memory_space<vmem>>, vector<1x1x256x128xf32>,
    return
  }
  func.func @transform_0(%arg0: i32) -> (i32, i32, i32) {
    %c0_i32 = arith.constant 0 : i32
    %c0_i32_0 = arith.constant 0 : i32
    %c0_i32_1 = arith.constant 0 : i32
    return %arg0, %c0_i32, %c0_i32_0 : i32, i32, i32
  }
  func.func @transform_1(%arg0: i32) -> (i32, i32, i32, i32) {
    %c0_i32 = arith.constant 0 : i32
    %c0_i32_0 = arith.constant 0 : i32
    %c0_i32_1 = arith.constant 0 : i32
    %c0_i32_2 = arith.constant 0 : i32
    return %arg0, %c0_i32, %c0_i32_0, %c0_i32_1 : i32, i32, i32, i32
  }
}

</mosaic_0001>

<sc_bundles>
// kernel: kernel.4.cloned.1.call-start
scs
__scs_entry_jumppad:
0x0: {  	(pc) =	sbr.rel $0x88, $3  }
0x1: {  	(tag) =	ssettag $0x0;
	lr =	simm.s32 $0x1  }
0x2: {  	[smem:$0x3F9F] =	sst lr;
	_ =	strace $0xD0000000  }
0x3: {  	_ = 	snop  }
0x4: {  	_ = 	snop  }
0x5: {  	_ = 	snop  }
0x6: {  	_ = 	snop  }
0x7: {  	_ = 	snop  }
__scs_overlays_trampoline_lowered:
0x8: {  	[smem:$0x3FAE] =	sst s0  }
0x9: {  	[smem:$0x3FAF] =	sst s1  }
0xa: {  	[smem:$0x3FB0] =	sst s2  }
0xb: {  	[smem:$0x3FB1] =	sst s3  }
0xc: {  	[smem:$0x3FB2] =	sst s4  }
0xd: {  	[smem:$0x3FB3] =	sst s5  }
0xe: {  	[smem:$0x3FB4] =	sst s6  }
0xf: {  	[smem:$0x3FB5] =	sst s7  }
0x10: {  	[smem:$0x3FB6] =	sst s8  }
0x11: {  	[smem:$0x3FB7] =	sst s9;
	s0 =	simm.s32 @!p0 $0x0  }
0x12: {  	s1 =	sld [smem:$0x3F9D];
	s0 =	simm.s32 @p0 $0x1  }
0x13: {  	[smem:$0x3FB8] =	sst s0;
	s0 =	simm.s32 @!p1 $0x0  }
0x14: {  	s2 =	sld [smem:$0x3F9C];
	s0 =	simm.s32 @p1 $0x1  }
0x15: {  	[smem:$0x3FB9] =	sst s0;
	s0 =	simm.s32 @!p2 $0x0  }
0x16: {  	s3 =	sld [smem:$0x3FDB];
	s0 =	simm.s32 @p2 $0x1  }
0x17: {  	s4 =	simm.s32 $0x1BF5;
	[smem:$0x3FBB] =	sst s0  }
0x18: {  	s0 =	sld [smem:$0x3F9E];
	_ =	swait.ge [sflag:s4], $0x0  }
0x19: {  	s7 =	sld [smem:$0x3F9F]  }
0x1a: {  	s8 =	sadd.s32 $0xFFFFE003, lr  }
0x1b: {  	s9 =	sadd.s32 $0xFFFFFEF7, lr;
	s5 =	simm.s32 $0xFFFFFFFF;
	p2 =	slt.u32 s8, $0xFFFFF086  }
0x1c: {  	p1 =	slt.u32 s9, $0xF7A;
	s5 =	simm.s32 @!p2 $0x0  }
0x1d: {  	s5 =	simm.s32 @p1 $0x1;
	p0 =	seq.s32 s7, s2  }
0x1e: {  	s7 =	smul.u32 @!p0 $0xF7A, s2;
	p2 =	seq.s32 @!p0 s5, $0x0  }
0x1f: {  	s9 =	smul.u32 $0xF7A, s1;
	s8 =	simm.s32 @!p0 $0x1BF5;
	p2 =	por !p2, p0  }
0x20: {  	[sflag:s8] =	ssyncset.s32 @!p0 $0xFFFFF086;
	s6 =	sadd.s32 @!p0 s3, s7;
	s7 =	simm.s32 @!p0 $0x108  }
0x21: {  	s3 =	sadd.s32 s3, s9;
	s6 =	sadd.s32 @!p0 $0x88, s6;
	s7 =	simm.s32 @p2 $0x1082  }
0x22: {  	[simem:s7], [sflag:s8] =	dma.local @!p0 [hbm:s6], $0xF7A  }
0x23: {  	s9 =	sor.u32 $0xD0000000, s2;
	s6 =	simm.s32 $0x108;
	_ =	swait.ge @!p0 [sflag:s8], $0x0  }
0x24: {  	s3 =	sadd.s32 $0x88, s3;
	s6 =	simm.s32 @!p1 $0x1082;
	[sflag:s4] =	ssyncset.s32 $0xFFFFF086  }
0x25: {  	[simem:s6], [sflag:s4] =	dma.local [hbm:s3], $0xF7A  }
0x26: {  	[smem:$0x3F9F] =	sst s1;
	(tag) =	ssettag s2;
	_ =	strace s9  }
0x27: {  	s1 =	sld [smem:$0x3FAF]  }
0x28: {  	s2 =	sld [smem:$0x3FB0]  }
0x29: {  	s4 =	sld [smem:$0x3FB2]  }
0x2a: {  	p0 =	seq.s32 s5, $0x0;
	s5 =	sld [smem:$0x3FB3]  }
0x2b: {  	s6 =	sld [smem:$0x3FB4]  }
0x2c: {  	s7 =	sld [smem:$0x3FB5]  }
0x2d: {  	s3 =	simm.s32 $0x108;
	s8 =	sld [smem:$0x3FB6]  }
0x2e: {  	s3 =	simm.s32 @!p0 $0x1082;
	s9 =	sld [smem:$0x3FB7]  }
0x2f: {  	lr =	sadd.s32 s0, s3;
	s0 =	sld [smem:$0x3FAE]  }
0x30: {  	s3 =	sld [smem:$0x3FB1]  }
0x31: {  	[smem:$0x3FBA] =	sst s10  }
0x32: {  	s10 =	sld [smem:$0x3FB8];
	_ =	sdelay $0x3  }
0x33: {  	p0 =	seq.s32 s10, $0x1;
	s10 =	sld [smem:$0x3FBA];
	_ =	sdelay $0x3  }
0x34: {  	[smem:$0x3FBA] =	sst s10  }
0x35: {  	s10 =	sld [smem:$0x3FB9];
	_ =	sdelay $0x3  }
0x36: {  	p1 =	seq.s32 s10, $0x1;
	s10 =	sld [smem:$0x3FBA];
	_ =	sdelay $0x3  }
0x37: {  	[smem:$0x3FBA] =	sst s10  }
0x38: {  	s10 =	sld [smem:$0x3FBB]  }
0x39: {  	_ = 	snop;
	(pc) =	sbr.ind lr, $3  }
0x3a: {  	_ = 	snop  }
0x3b: {  	_ = 	snop  }
0x3c: {  	p2 =	seq.s32 s10, $0x1;
	s10 =	sld [smem:$0x3FBA]  }
0x3d: {  	_ =	shalt  }
0x3e: {  	_ =	shalt  }
0x3f: {  	_ =	shalt  }
0x40: {  	_ =	shalt  }
0x41: {  	_ =	shalt  }
0x42: {  	_ =	shalt  }
0x43: {  	_ =	shalt  }
0x44: {  	_ =	shalt  }
0x45: {  	_ =	shalt  }
0x46: {  	_ =	shalt  }
0x47: {  	_ =	shalt  }
0x48: {  	_ =	shalt  }
0x49: {  	_ =	shalt  }
0x4a: {  	_ =	shalt  }
0x4b: {  	_ =	shalt  }
0x4c: {  	_ =	shalt  }
0x4d: {  	_ =	shalt  }
0x4e: {  	_ =	shalt  }
0x4f: {  	_ =	shalt  }
0x50: {  	_ =	shalt  }
0x51: {  	_ =	shalt  }
0x52: {  	_ =	shalt  }
0x53: {  	_ =	shalt  }
0x54: {  	_ =	shalt  }
0x55: {  	_ =	shalt  }
0x56: {  	_ =	shalt  }
0x57: {  	_ =	shalt  }
0x58: {  	_ =	shalt  }
0x59: {  	_ =	shalt  }
0x5a: {  	_ =	shalt  }
0x5b: {  	_ =	shalt  }
0x5c: {  	_ =	shalt  }
0x5d: {  	_ =	shalt  }
0x5e: {  	_ =	shalt  }
0x5f: {  	_ =	shalt  }
0x60: {  	_ =	shalt  }
0x61: {  	_ =	shalt  }
0x62: {  	_ =	shalt  }
0x63: {  	_ =	shalt  }
0x64: {  	_ =	shalt  }
0x65: {  	_ =	shalt  }
0x66: {  	_ =	shalt  }
0x67: {  	_ =	shalt  }
0x68: {  	_ =	shalt  }
0x69: {  	_ =	shalt  }
0x6a: {  	_ =	shalt  }
0x6b: {  	_ =	shalt  }
0x6c: {  	_ =	shalt  }
0x6d: {  	_ =	shalt  }
0x6e: {  	_ =	shalt  }
0x6f: {  	_ =	shalt  }
0x70: {  	_ =	shalt  }
0x71: {  	_ =	shalt  }
0x72: {  	_ =	shalt  }
0x73: {  	_ =	shalt  }
0x74: {  	_ =	shalt  }
0x75: {  	_ =	shalt  }
0x76: {  	_ =	shalt  }
0x77: {  	_ =	shalt  }
0x78: {  	_ =	shalt  }
0x79: {  	_ =	shalt  }
0x7a: {  	_ =	shalt  }
0x7b: {  	_ =	shalt  }
0x7c: {  	_ =	shalt  }
0x7d: {  	_ =	shalt  }
0x7e: {  	_ =	shalt  }
0x7f: {  	_ =	shalt  }
0x80: {  	_ =	shalt  }
0x81: {  	_ =	shalt  }
0x82: {  	_ =	shalt  }
0x83: {  	_ =	shalt  }
0x84: {  	_ =	shalt  }
0x85: {  	_ =	shalt  }
0x86: {  	_ =	shalt  }
0x87: {  	_ =	shalt  }
.Lfunc_end0:
.L_simem_size_0:
called_computation_lowered:
.L_overlay_start_0:
0x88: {  	s2 =	sld [smem:$0x3FD9]  }
0x89: {  	s3 =	sld [smem:$0x3FFE];
	_ =	sdelay $0x1  }
0x8a: {  	s1 =	srdreg.scid  }
0x8b: {  	s0 =	sand.u32 $0x1, s1  }
0x8c: {  	s17 =	sshll.u32 s0, $0xA;
	s2 =	sadd.s32 s3, s2  }
0x8d: {  	s2 =	sadd.s32 s2, s17  }
0x8e: {  	[smem:$0x3FC6] =	sst s2  }
0x8f: {  	_ = 	snop  }
0x90: {  	s2 =	sld [smem:$0x3FC8]  }
0x91: {  	s18 =	sld [smem:$0x3FD0];
	(tm) =	ssettm $0x1  }
0x92: {  	s4 =	sld [smem:$0x3FFB];
	_ =	sdelay $0x3  }
0x93: {  	_ =	strace s4  }
0x94: {  	s4 =	sld [smem:$0x3FFC];
	_ =	sdelay $0x3  }
0x95: {  	_ =	strace s4  }
0x96: {  	s4 =	sld [smem:$0x3FFD];
	_ =	sdelay $0x3  }
0x97: {  	_ =	strace s4  }
0x98: {  	_ =	strace $0x8FFFFFFF  }
0x99: {  	s19 =	sld [smem:$0x3FDB];
	_ =	sdelay $0x1  }
0x9a: {  	s5 =	simm.s32 $_scs_section_size  }
0x9b: {  	s6 =	simm.s32 $_size__tile_overlayer_lowered;
	s7 =	simm.s32 $_tile_overlayer_lowered  }
0x9c: {  	s22 =	simm.s32 $0x1BFF;
	s21 =	sshll.u32 s7, $0x1;
	s4 =	sadd.s32 s5, s19  }
0x9d: {  	s8 =	simm.s32 $0x0;
	s20 =	sshll.u32 s6, $0x1;
	s6 =	sadd.s32 s21, s4  }
0x9e: {  	[timem:s8], [sflag:s22] =	dma.local [hbm:s6], s20  }
0x9f: {  	_ =	swait.ge [sflag:s22], s20  }
0xa0: {  	s5 =	ssub.s32 $0x0, s20;
	[sflag:s22] =	ssyncset.done $0x0  }
0xa1: {  	[sflag:s22] =	ssyncadd.s32 s5;
	_ =	sdelay $0x1  }
0xa2: {  	s23 =	simm.s32 $0x1B8B  }
0xa3: {  	_ =	swait.ge [sflag:s23], $0x1  }
0xa4: {  	[sflag:s23] =	ssyncset.done $0x0  }
0xa5: {  	s25 =	simm.s32 $0x1B8E;
	s24 =	sld [smem:$0x3FFE];
	[sflag:s23] =	ssyncadd.s32 $0xFFFFFFFF  }
0xa6: {  	s26 =	simm.s32 $execute0_lowered;
	[smem:$0x3FD2] =	sst s25  }
0xa7: {  	s6 =	sshll.u32 s26, $0x1;
	_ =	strace $0x80000046;
	[dreg:$0x1] =	wrdreg $0xFFFFFFFF  }
0xa8: {  	s28 =	simm.s32 $_size_execute0_lowered;
	s4 =	sadd.s32 s4, s6;
	[dreg:$0x0] =	wrdreg $0x0  }
0xa9: {  	s6 =	sshll.u32 s28, $0x1;
	[dreg:$0x2] =	wrdreg s4  }
0xaa: {  	[dreg:$0x3] =	wrdreg s6  }
0xab: {  	[dreg:$0x4] =	wrdreg $0xC0  }
0xac: {  	_ =	task [dreg:s8], $0x5FFFF  }
0xad: {  	[dreg:$0x1] =	wrdreg $0xFFFFFFFF  }
0xae: {  	[dreg:$0x0] =	wrdreg $0x60  }
0xaf: {  	[dreg:$0x2] =	wrdreg s24  }
0xb0: {  	[dreg:$0x3] =	wrdreg s2  }
0xb1: {  	[dreg:$0x4] =	wrdreg s18  }
0xb2: {  	[dreg:$0x5] =	wrdreg $0x9  }
0xb3: {  	_ =	task.clear_ibuf [dreg:s8], $0x6FFFF;
	_ =	strace $0x90000046  }
0xb4: {  	s29 =	simm.s32 $0x9;
	_ =	strace $0x80000048  }
0xb5: {  	_ =	swait.ge [sflag:s29], $0x1  }
0xb6: {  	[sflag:s29] =	ssyncadd.s32 $0xFFFFFFFF  }
0xb7: {  	_ =	strace $0x90000048  }
0xb8: {  	_ =	sfence  }
0xb9: {  	s30 =	sld [smem:$0x0];
	_ =	sdelay $0x2  }
0xba: {  	s31 =	sshll.u32 s1, $0xD;
	s1 =	sshrl.u32 s1, $0x2  }
0xbb: {  	s3 =	sand.u32 $0x4000, s31;
	s1 =	sadd.s32 s1, s30  }
0xbc: {  	s0 =	sor.u32 s3, s0;
	s1 =	sshll.u32 s1, $0x11  }
0xbd: {  	s0 =	sor.u32 s1, s0  }
0xbe: {  	s0 =	sadd.s32 $0x8F2B, s0  }
0xbf: {  	[sflag:s0] =	ssyncadd.remote.s32 $0x1  }
0xc0: {  	_ =	sfence.sel $0xFFFF  }
0xc1: {  	[dreg:$0x0] =	wrdreg $0xFFFFFFFF;
	(pc) =	sbr.abs _section_cstart, $3  }
0xc2: {  	[dreg:$0x1] =	wrdreg $0xFFFFFFFF  }
0xc3: {  	_ =	task.clear_ibuf [dreg:s8], $0x2FFFF;
	_ =	strace $0x9FFFFFFF  }
0xc4: {  	(tm) =	ssettm $0x7FFFFFFF  }
0xc5: {  	_ =	shalt  }
tec
execute0_lowered:
.L_overlay_start_1:
0x0: {  	(tag) =	ssettag $0x1  }
0x1: {  	s4 =	rddreg [dreg:$0x0]  }
0x2: {  	s1 =	rddreg [dreg:$0x1]  }
0x3: {  	s5 =	rddreg [dreg:$0x2]  }
0x4: {  	s3 =	srdreg.scid;
	s0 =	rddreg [dreg:$0x3];
	s2 =	simm.s32 $0x0  }
0x5: {  	s12 =	simm.s32 $0x0;
	s6 =	sand.u32 $0x1, s3;
	[smem:$0x7FF] =	sst s2  }
0x6: {  	s3 =	stileid.u32;
	s4 =	sadd.s32 $0x600, s4;
	_ =	strace $0x80000047  }
0x7: {  	s7 =	ssub.s32 $0x2, s6;
	s9 =	sshll.u32 s3, $0xD;
	s11 =	smul.u32 $0x30D400, s3  }
0x8: {  	s10 =	sshll.u32 s6, $0xC;
	s31 =	smul.u32 $0x186A00, s6;
	s8 =	sshrl.u32 s7, $0x1  }
0x9: {  	s30 =	sor.u32 s10, s9;
	s9 =	simm.s32 $0x80;
	s10 =	simm.s32 $0x1  }
0xa: {  	s7 =	ssub.s32 s7, s8;
	s5 =	sadd.s32 s5, s30;
	s8 =	simm.s32 $0x2  }
0xb: {  	s6 =	smax.u32 s7, $0x1;
	s7 =	sadd.s32 s31, s11;
	s11 =	simm.s32 $0x4400  }
.LBB2_1:
0xc: {  	[tilespmem:s2], [sflag:$0x2] =	stream.linear.gather [hbm4b:s1+s2], $0x400, $0x38;
	[tilespmem:$0xC400] =	vst v63  }
0xd: {  	_ =	swait.ge [sflag:s8], $0x400  }
0xe: {  	s13 =	simm.s32 $0x4B00;
	[sflag:s8] =	ssyncset.done $0x0  }
0xf: {  	s14 =	smov.u32 s7;
	s15 =	simm.s32 $0x0;
	[sflag:s8] =	ssyncadd.s32 $0xFFFFFC00  }
.LBB2_2:
0x10: {  	v0 =	vld [tilespmem:$0x0];
	_ =	sdelay $0x4  }
0x11: {  	s16 =	sshra.s32 s15, $0x2;
	v0 =	vadd.s32 s14, v0  }
0x12: {  	[tilespmem:s16+$0x400] =	vst v0  }
0x13: {  	v0 =	vld [tilespmem:$0x10];
	_ =	sdelay $0x4  }
0x14: {  	v0 =	vadd.s32 s14, v0  }
0x15: {  	[tilespmem:s16+$0x410] =	vst v0  }
0x16: {  	v0 =	vld [tilespmem:$0x20];
	_ =	sdelay $0x4  }
0x17: {  	v0 =	vadd.s32 s14, v0  }
0x18: {  	[tilespmem:s16+$0x420] =	vst v0  }
0x19: {  	v0 =	vld [tilespmem:$0x30];
	_ =	sdelay $0x4  }
0x1a: {  	v0 =	vadd.s32 s14, v0  }
0x1b: {  	[tilespmem:s16+$0x430] =	vst v0  }
0x1c: {  	v0 =	vld [tilespmem:$0x40];
	_ =	sdelay $0x4  }
0x1d: {  	v0 =	vadd.s32 s14, v0  }
0x1e: {  	[tilespmem:s16+$0x440] =	vst v0  }
0x1f: {  	v0 =	vld [tilespmem:$0x50];
	_ =	sdelay $0x4  }
0x20: {  	v0 =	vadd.s32 s14, v0  }
0x21: {  	[tilespmem:s16+$0x450] =	vst v0  }
0x22: {  	v0 =	vld [tilespmem:$0x60];
	_ =	sdelay $0x4  }
0x23: {  	v0 =	vadd.s32 s14, v0  }
0x24: {  	[tilespmem:s16+$0x460] =	vst v0  }
0x25: {  	v0 =	vld [tilespmem:$0x70];
	_ =	sdelay $0x4  }
0x26: {  	v0 =	vadd.s32 s14, v0  }
0x27: {  	[tilespmem:s16+$0x470] =	vst v0  }
0x28: {  	v0 =	vld [tilespmem:$0x80];
	_ =	sdelay $0x4  }
0x29: {  	v0 =	vadd.s32 s14, v0  }
0x2a: {  	[tilespmem:s16+$0x480] =	vst v0  }
0x2b: {  	v0 =	vld [tilespmem:$0x90];
	_ =	sdelay $0x4  }
0x2c: {  	v0 =	vadd.s32 s14, v0  }
0x2d: {  	[tilespmem:s16+$0x490] =	vst v0  }
0x2e: {  	v0 =	vld [tilespmem:$0xA0];
	_ =	sdelay $0x4  }
0x2f: {  	v0 =	vadd.s32 s14, v0  }
0x30: {  	[tilespmem:s16+$0x4A0] =	vst v0  }
0x31: {  	v0 =	vld [tilespmem:$0xB0];
	_ =	sdelay $0x4  }
0x32: {  	v0 =	vadd.s32 s14, v0  }
0x33: {  	[tilespmem:s16+$0x4B0] =	vst v0  }
0x34: {  	v0 =	vld [tilespmem:$0xC0];
	_ =	sdelay $0x4  }
0x35: {  	v0 =	vadd.s32 s14, v0  }
0x36: {  	[tilespmem:s16+$0x4C0] =	vst v0  }
0x37: {  	v0 =	vld [tilespmem:$0xD0];
	_ =	sdelay $0x4  }
0x38: {  	v0 =	vadd.s32 s14, v0  }
0x39: {  	[tilespmem:s16+$0x4D0] =	vst v0  }
0x3a: {  	v0 =	vld [tilespmem:$0xE0];
	_ =	sdelay $0x4  }
0x3b: {  	v0 =	vadd.s32 s14, v0  }
0x3c: {  	[tilespmem:s16+$0x4E0] =	vst v0  }
0x3d: {  	v0 =	vld [tilespmem:$0xF0];
	_ =	sdelay $0x4  }
0x3e: {  	v0 =	vadd.s32 s14, v0  }
0x3f: {  	[tilespmem:s16+$0x4F0] =	vst v0  }
0x40: {  	v0 =	vld [tilespmem:$0x100];
	_ =	sdelay $0x4  }
0x41: {  	v0 =	vadd.s32 s14, v0  }
0x42: {  	[tilespmem:s16+$0x500] =	vst v0  }
0x43: {  	v0 =	vld [tilespmem:$0x110];
	_ =	sdelay $0x4  }
0x44: {  	v0 =	vadd.s32 s14, v0  }
0x45: {  	[tilespmem:s16+$0x510] =	vst v0  }
0x46: {  	v0 =	vld [tilespmem:$0x120];
	_ =	sdelay $0x4  }
0x47: {  	v0 =	vadd.s32 s14, v0  }
0x48: {  	[tilespmem:s16+$0x520] =	vst v0  }
0x49: {  	v0 =	vld [tilespmem:$0x130];
	_ =	sdelay $0x4  }
0x4a: {  	v0 =	vadd.s32 s14, v0  }
0x4b: {  	[tilespmem:s16+$0x530] =	vst v0  }
0x4c: {  	v0 =	vld [tilespmem:$0x140];
	_ =	sdelay $0x4  }
0x4d: {  	v0 =	vadd.s32 s14, v0  }
0x4e: {  	[tilespmem:s16+$0x540] =	vst v0  }
0x4f: {  	v0 =	vld [tilespmem:$0x150];
	_ =	sdelay $0x4  }
0x50: {  	v0 =	vadd.s32 s14, v0  }
0x51: {  	[tilespmem:s16+$0x550] =	vst v0  }
0x52: {  	v0 =	vld [tilespmem:$0x160];
	_ =	sdelay $0x4  }
0x53: {  	v0 =	vadd.s32 s14, v0  }
0x54: {  	[tilespmem:s16+$0x560] =	vst v0  }
0x55: {  	v0 =	vld [tilespmem:$0x170];
	_ =	sdelay $0x4  }
0x56: {  	v0 =	vadd.s32 s14, v0  }
0x57: {  	[tilespmem:s16+$0x570] =	vst v0  }
0x58: {  	v0 =	vld [tilespmem:$0x180];
	_ =	sdelay $0x4  }
0x59: {  	v0 =	vadd.s32 s14, v0  }
0x5a: {  	[tilespmem:s16+$0x580] =	vst v0  }
0x5b: {  	v0 =	vld [tilespmem:$0x190];
	_ =	sdelay $0x4  }
0x5c: {  	v0 =	vadd.s32 s14, v0  }
0x5d: {  	[tilespmem:s16+$0x590] =	vst v0  }
0x5e: {  	v0 =	vld [tilespmem:$0x1A0];
	_ =	sdelay $0x4  }
0x5f: {  	v0 =	vadd.s32 s14, v0  }
0x60: {  	[tilespmem:s16+$0x5A0] =	vst v0  }
0x61: {  	v0 =	vld [tilespmem:$0x1B0];
	_ =	sdelay $0x4  }
0x62: {  	v0 =	vadd.s32 s14, v0  }
0x63: {  	[tilespmem:s16+$0x5B0] =	vst v0  }
0x64: {  	v0 =	vld [tilespmem:$0x1C0];
	_ =	sdelay $0x4  }
0x65: {  	v0 =	vadd.s32 s14, v0  }
0x66: {  	[tilespmem:s16+$0x5C0] =	vst v0  }
0x67: {  	v0 =	vld [tilespmem:$0x1D0];
	_ =	sdelay $0x4  }
0x68: {  	v0 =	vadd.s32 s14, v0  }
0x69: {  	[tilespmem:s16+$0x5D0] =	vst v0  }
0x6a: {  	v0 =	vld [tilespmem:$0x1E0];
	_ =	sdelay $0x4  }
0x6b: {  	v0 =	vadd.s32 s14, v0  }
0x6c: {  	[tilespmem:s16+$0x5E0] =	vst v0  }
0x6d: {  	v0 =	vld [tilespmem:$0x1F0];
	_ =	sdelay $0x4  }
0x6e: {  	v0 =	vadd.s32 s14, v0  }
0x6f: {  	[tilespmem:s16+$0x5F0] =	vst v0  }
0x70: {  	v0 =	vld [tilespmem:$0x200];
	_ =	sdelay $0x4  }
0x71: {  	v0 =	vadd.s32 s14, v0  }
0x72: {  	[tilespmem:s16+$0x600] =	vst v0  }
0x73: {  	v0 =	vld [tilespmem:$0x210];
	_ =	sdelay $0x4  }
0x74: {  	v0 =	vadd.s32 s14, v0  }
0x75: {  	[tilespmem:s16+$0x610] =	vst v0  }
0x76: {  	v0 =	vld [tilespmem:$0x220];
	_ =	sdelay $0x4  }
0x77: {  	v0 =	vadd.s32 s14, v0  }
0x78: {  	[tilespmem:s16+$0x620] =	vst v0  }
0x79: {  	v0 =	vld [tilespmem:$0x230];
	_ =	sdelay $0x4  }
0x7a: {  	v0 =	vadd.s32 s14, v0  }
0x7b: {  	[tilespmem:s16+$0x630] =	vst v0  }
0x7c: {  	v0 =	vld [tilespmem:$0x240];
	_ =	sdelay $0x4  }
0x7d: {  	v0 =	vadd.s32 s14, v0  }
0x7e: {  	[tilespmem:s16+$0x640] =	vst v0  }
0x7f: {  	v0 =	vld [tilespmem:$0x250];
	_ =	sdelay $0x4  }
0x80: {  	v0 =	vadd.s32 s14, v0  }
0x81: {  	[tilespmem:s16+$0x650] =	vst v0  }
0x82: {  	v0 =	vld [tilespmem:$0x260];
	_ =	sdelay $0x4  }
0x83: {  	v0 =	vadd.s32 s14, v0  }
0x84: {  	[tilespmem:s16+$0x660] =	vst v0  }
0x85: {  	v0 =	vld [tilespmem:$0x270];
	_ =	sdelay $0x4  }
0x86: {  	v0 =	vadd.s32 s14, v0  }
0x87: {  	[tilespmem:s16+$0x670] =	vst v0  }
0x88: {  	v0 =	vld [tilespmem:$0x280];
	_ =	sdelay $0x4  }
0x89: {  	v0 =	vadd.s32 s14, v0  }
0x8a: {  	[tilespmem:s16+$0x680] =	vst v0  }
0x8b: {  	v0 =	vld [tilespmem:$0x290];
	_ =	sdelay $0x4  }
0x8c: {  	v0 =	vadd.s32 s14, v0  }
0x8d: {  	[tilespmem:s16+$0x690] =	vst v0  }
0x8e: {  	v0 =	vld [tilespmem:$0x2A0];
	_ =	sdelay $0x4  }
0x8f: {  	v0 =	vadd.s32 s14, v0  }
0x90: {  	[tilespmem:s16+$0x6A0] =	vst v0  }
0x91: {  	v0 =	vld [tilespmem:$0x2B0];
	_ =	sdelay $0x4  }
0x92: {  	v0 =	vadd.s32 s14, v0  }
0x93: {  	[tilespmem:s16+$0x6B0] =	vst v0  }
0x94: {  	v0 =	vld [tilespmem:$0x2C0];
	_ =	sdelay $0x4  }
0x95: {  	v0 =	vadd.s32 s14, v0  }
0x96: {  	[tilespmem:s16+$0x6C0] =	vst v0  }
0x97: {  	v0 =	vld [tilespmem:$0x2D0];
	_ =	sdelay $0x4  }
0x98: {  	v0 =	vadd.s32 s14, v0  }
0x99: {  	[tilespmem:s16+$0x6D0] =	vst v0  }
0x9a: {  	v0 =	vld [tilespmem:$0x2E0];
	_ =	sdelay $0x4  }
0x9b: {  	v0 =	vadd.s32 s14, v0  }
0x9c: {  	[tilespmem:s16+$0x6E0] =	vst v0  }
0x9d: {  	v0 =	vld [tilespmem:$0x2F0];
	_ =	sdelay $0x4  }
0x9e: {  	v0 =	vadd.s32 s14, v0  }
0x9f: {  	[tilespmem:s16+$0x6F0] =	vst v0  }
0xa0: {  	v0 =	vld [tilespmem:$0x300];
	_ =	sdelay $0x4  }
0xa1: {  	v0 =	vadd.s32 s14, v0  }
0xa2: {  	[tilespmem:s16+$0x700] =	vst v0  }
0xa3: {  	v0 =	vld [tilespmem:$0x310];
	_ =	sdelay $0x4  }
0xa4: {  	v0 =	vadd.s32 s14, v0  }
0xa5: {  	[tilespmem:s16+$0x710] =	vst v0  }
0xa6: {  	v0 =	vld [tilespmem:$0x320];
	_ =	sdelay $0x4  }
0xa7: {  	v0 =	vadd.s32 s14, v0  }
0xa8: {  	[tilespmem:s16+$0x720] =	vst v0  }
0xa9: {  	v0 =	vld [tilespmem:$0x330];
	_ =	sdelay $0x4  }
0xaa: {  	v0 =	vadd.s32 s14, v0  }
0xab: {  	[tilespmem:s16+$0x730] =	vst v0  }
0xac: {  	v0 =	vld [tilespmem:$0x340];
	_ =	sdelay $0x4  }
0xad: {  	v0 =	vadd.s32 s14, v0  }
0xae: {  	[tilespmem:s16+$0x740] =	vst v0  }
0xaf: {  	v0 =	vld [tilespmem:$0x350];
	_ =	sdelay $0x4  }
0xb0: {  	v0 =	vadd.s32 s14, v0  }
0xb1: {  	[tilespmem:s16+$0x750] =	vst v0  }
0xb2: {  	v0 =	vld [tilespmem:$0x360];
	_ =	sdelay $0x4  }
0xb3: {  	v0 =	vadd.s32 s14, v0  }
0xb4: {  	[tilespmem:s16+$0x760] =	vst v0  }
0xb5: {  	v0 =	vld [tilespmem:$0x370];
	_ =	sdelay $0x4  }
0xb6: {  	v0 =	vadd.s32 s14, v0  }
0xb7: {  	[tilespmem:s16+$0x770] =	vst v0  }
0xb8: {  	v0 =	vld [tilespmem:$0x380];
	_ =	sdelay $0x4  }
0xb9: {  	v0 =	vadd.s32 s14, v0  }
0xba: {  	[tilespmem:s16+$0x780] =	vst v0  }
0xbb: {  	v0 =	vld [tilespmem:$0x390];
	_ =	sdelay $0x4  }
0xbc: {  	v0 =	vadd.s32 s14, v0  }
0xbd: {  	[tilespmem:s16+$0x790] =	vst v0  }
0xbe: {  	v0 =	vld [tilespmem:$0x3A0];
	_ =	sdelay $0x4  }
0xbf: {  	v0 =	vadd.s32 s14, v0  }
0xc0: {  	[tilespmem:s16+$0x7A0] =	vst v0  }
0xc1: {  	v0 =	vld [tilespmem:$0x3B0];
	_ =	sdelay $0x4  }
0xc2: {  	v0 =	vadd.s32 s14, v0  }
0xc3: {  	[tilespmem:s16+$0x7B0] =	vst v0  }
0xc4: {  	v0 =	vld [tilespmem:$0x3C0];
	_ =	sdelay $0x4  }
0xc5: {  	v0 =	vadd.s32 s14, v0  }
0xc6: {  	[tilespmem:s16+$0x7C0] =	vst v0  }
0xc7: {  	v0 =	vld [tilespmem:$0x3D0];
	_ =	sdelay $0x4  }
0xc8: {  	v0 =	vadd.s32 s14, v0  }
0xc9: {  	[tilespmem:s16+$0x7D0] =	vst v0  }
0xca: {  	v0 =	vld [tilespmem:$0x3E0];
	_ =	sdelay $0x4  }
0xcb: {  	v0 =	vadd.s32 s14, v0  }
0xcc: {  	[tilespmem:s16+$0x7E0] =	vst v0  }
0xcd: {  	v0 =	vld [tilespmem:$0x3F0];
	_ =	sdelay $0x4  }
0xce: {  	v0 =	vadd.s32 s14, v0  }
0xcf: {  	s18 =	sadd.s32 $0xFFFFF900, s13;
	s17 =	sadd.s32 $0x400, s16;
	[tilespmem:s16+$0x7F0] =	vst v0  }
0xd0: {  	[tilespmem:s18], [sflag:$0x1] =	stream.indirect.gather [hbm4b:s4+s9], $0x1, s17, s9, $0xb8;
	[tilespmem:$0xC400] =	vst v63  }
0xd1: {  	s20 =	sadd.s32 $0xFFFFFA00, s13;
	s19 =	sadd.s32 $0x480, s16  }
0xd2: {  	[tilespmem:s20], [sflag:$0x1] =	stream.indirect.gather [hbm4b:s4+s9], $0x1, s19, s9, $0xb8;
	[tilespmem:$0xC400] =	vst v63  }
0xd3: {  	s22 =	sadd.s32 $0xFFFFFB00, s13;
	s21 =	sadd.s32 $0x500, s16  }
0xd4: {  	[tilespmem:s22], [sflag:$0x1] =	stream.indirect.gather [hbm4b:s4+s9], $0x1, s21, s9, $0xb8;
	[tilespmem:$0xC400] =	vst v63  }
0xd5: {  	s24 =	sadd.s32 $0xFFFFFC00, s13;
	s23 =	sadd.s32 $0x580, s16  }
0xd6: {  	[tilespmem:s24], [sflag:$0x1] =	stream.indirect.gather [hbm4b:s4+s9], $0x1, s23, s9, $0xb8;
	[tilespmem:$0xC400] =	vst v63  }
0xd7: {  	s26 =	sadd.s32 $0xFFFFFD00, s13;
	s25 =	sadd.s32 $0x600, s16  }
0xd8: {  	[tilespmem:s26], [sflag:$0x1] =	stream.indirect.gather [hbm4b:s4+s9], $0x1, s25, s9, $0xb8;
	[tilespmem:$0xC400] =	vst v63  }
0xd9: {  	s29 =	sadd.s32 $0xFFFFFE00, s13;
	p0 =	sne.s32 s15, $0xF000;
	s28 =	sadd.s32 $0x680, s16  }
0xda: {  	[tilespmem:s29], [sflag:$0x1] =	stream.indirect.gather [hbm4b:s4+s9], $0x1, s28, s9, $0xb8;
	[tilespmem:$0xC400] =	vst v63  }
.Ltmp0:
0xdb: {  	s31 =	sadd.s32 $0xFFFFFF00, s13;
	s30 =	sadd.s32 $0x700, s16;
	(pc) =	sbr.rel @p0 .LBB2_2-.Ltmp0, $4  }
0xdc: {  	[tilespmem:s31], [sflag:$0x1] =	stream.indirect.gather [hbm4b:s4+s9], $0x1, s30, s9, $0xb8;
	[tilespmem:$0xC400] =	vst v63  }
0xdd: {  	s16 =	sadd.s32 $0x780, s16  }
0xde: {  	[tilespmem:s13], [sflag:$0x1] =	stream.indirect.gather [hbm4b:s4+s9], $0x1, s16, s9, $0xb8;
	[tilespmem:$0xC400] =	vst v63  }
0xdf: {  	s15 =	sadd.s32 $0x1000, s15;
	s14 =	sadd.s32 $0x186A0, s14;
	s13 =	sadd.s32 $0x800, s13  }
0xe0: {  	_ =	swait.ge [sflag:s10], $0x4000;
	s12 =	sadd.s32 $0x1, s12  }
0xe1: {  	[sflag:s10] =	ssyncset.done $0x0;
	p0 =	sne.s32 s12, s6  }
.Ltmp1:
0xe2: {  	[sflag:s10] =	ssyncadd.s32 $0xFFFFC000;
	(pc) =	sbr.rel @p0 .LBB2_1-.Ltmp1, $4  }
0xe3: {  	[hbm4b:s5+s2] =	stream.linear.scatter [tilespmem:s11], [sflag:$0x2], $0x8000, $0x38;
	[tilespmem:$0xC400] =	vst v63  }
0xe4: {  	_ =	swait.ge [sflag:s8], $0x8000  }
0xe5: {  	[sflag:s8] =	ssyncset.done $0x0  }
0xe6: {  	[sflag:s8] =	ssyncadd.s32 $0xFFFF8000  }
0xe7: {  	_ =	sfence.sel $0x180000  }
0xe8: {  	[bflag:$0x0] =	sbarrier.arrive $0xFFFF  }
0xe9: {  	p0 =	sne.s32 s3, $0x0;
	_ =	strace $0x90000047  }
0xea: {  	s0 =	sadd.s32 @!p0 $0x100000, s0;
	[bflag:$0x2] =	sbarrier.arrive $0xFFFF  }
0xeb: {  	[sflag:s0] =	ssyncadd.tile.s32 @!p0 $0x1;
	_ =	shalt  }
.Lfunc_end2:
_tile_overlayer_lowered:
.L_overlay_start_2:
0xec: {  	(tag) =	ssettag $0x2  }
0xed: {  	s0 =	rddreg [dreg:$0x0];
	s2 =	stileid.u32  }
0xee: {  	s1 =	rddreg [dreg:$0x1];
	p0 =	sne.s32 s2, $0x0  }
0xef: {  	s3 =	rddreg [dreg:$0x2];
	[bflag:$0x3] =	sbarrier.arrive $0xFFFF;
	s2 =	simm.s32 @!p0 $0x1C02  }
0xf0: {  	[timem:s3], [sflag:s2] =	dma.local @!p0 [hbm:s0], s1  }
0xf1: {  	s0 =	simm.s32 @!p0 $0x2  }
0xf2: {  	_ =	swait.ge @!p0 [sflag:s0], s1  }
0xf3: {  	s1 =	ssub.s32 @!p0 $0x0, s1;
	[sflag:s0] =	ssyncset.done @!p0 $0x0  }
0xf4: {  	[sflag:s0] =	ssyncadd.s32 @!p0 s1  }
0xf5: {  	[bflag:$0x3] =	sbarrier.arrive $0xFFFF  }
0xf6: {  	_ =	shalt  }

</sc_bundles>
